<compile_context>
chip_gen: v7x
topology: tpu7x:2x2x1
jax: 0.10.2.dev20260603
libtpu: 0.0.44.dev20260713+nightly
codegen_flags: <defaults>
</compile_context>

<pallas_src>
import functools

import jax
import jax.numpy as jnp
from jax import lax
from jax.experimental import pallas as pl
from jax.experimental.pallas import tpu as pltpu
from jax.experimental.pallas import tpu_sc as plsc

BATCH = 16384
FIELDS = 26
EMBED = 128
FIELD_STRIDE = 3847
TOTAL = BATCH * FIELDS

NUM_CORES = 2
NUM_SUBCORES = 16
NUM_WORKERS = NUM_CORES * NUM_SUBCORES
ROWS_PER_WORKER = TOTAL // NUM_WORKERS
GATHER_ROWS = 104
STEPS = ROWS_PER_WORKER // GATHER_ROWS
LANES = 16
K = 2
NSETS = 4
GROUPS = STEPS // K
GROUP_ROWS = K * GATHER_ROWS
VECS_PER_GROUP = GROUP_ROWS // LANES


def _body(data_hbm, table_hbm, out_hbm, idx_v, rows_v, gsem, osem):
    wid = lax.axis_index("s") * NUM_CORES + lax.axis_index("c")
    base = wid * ROWS_PER_WORKER

    pltpu.sync_copy(data_hbm.at[wid], idx_v)

    def add_offsets(t):
        for v in range(VECS_PER_GROUP):
            pos = t * GROUP_ROWS + v * LANES + lax.iota(jnp.int32, LANES)
            off = lax.rem(pos, FIELDS) * FIELD_STRIDE
            sl = pl.ds(t * GROUP_ROWS + v * LANES, LANES)
            idx_v[sl] = idx_v[sl] + off

    def fire_gathers(t):
        s = lax.rem(t, NSETS)
        for k in range(K):
            g = t * K + k
            pltpu.async_copy(
                table_hbm.at[idx_v.at[pl.ds(g * GATHER_ROWS, GATHER_ROWS)]],
                rows_v.at[s * K + k],
                gsem,
            )

    def wait_gathers(t):
        s = lax.rem(t, NSETS)
        for k in range(K):
            g = t * K + k
            pltpu.make_async_copy(
                table_hbm.at[idx_v.at[pl.ds(g * GATHER_ROWS, GATHER_ROWS)]],
                rows_v.at[s * K + k],
                gsem,
            ).wait()

    def fire_stores(t):
        s = lax.rem(t, NSETS)
        for k in range(K):
            g = t * K + k
            pltpu.async_copy(
                rows_v.at[s * K + k],
                out_hbm.at[pl.ds(base + g * GATHER_ROWS, GATHER_ROWS)],
                osem,
            )

    def wait_stores(t):
        s = lax.rem(t, NSETS)
        for k in range(K):
            g = t * K + k
            pltpu.make_async_copy(
                rows_v.at[s * K + k],
                out_hbm.at[pl.ds(base + g * GATHER_ROWS, GATHER_ROWS)],
                osem,
            ).wait()

    add_offsets(0)
    fire_gathers(0)
    add_offsets(1)
    fire_gathers(1)

    def group_body(t, _):
        @pl.when(t + 2 < GROUPS)
        def _():
            add_offsets(t + 2)

        wait_gathers(t)
        fire_stores(t)

        @pl.when(t >= 2)
        def _():
            wait_stores(t - 2)

        @pl.when(t + 2 < GROUPS)
        def _():
            fire_gathers(t + 2)

        return 0

    lax.fori_loop(0, GROUPS, group_body, 0)
    wait_stores(GROUPS - 2)
    wait_stores(GROUPS - 1)


@jax.jit
def _embed(data_flat, table):
    mesh = plsc.VectorSubcoreMesh(
        core_axis_name="c", subcore_axis_name="s",
        num_cores=NUM_CORES, num_subcores=NUM_SUBCORES,
    )
    run = functools.partial(
        pl.kernel,
        out_type=jax.ShapeDtypeStruct((TOTAL, EMBED), jnp.float32),
        mesh=mesh,
        scratch_types=[
            pltpu.VMEM((ROWS_PER_WORKER,), jnp.int32),
            pltpu.VMEM((NSETS * K, GATHER_ROWS, EMBED), jnp.float32),
            pltpu.SemaphoreType.DMA,
            pltpu.SemaphoreType.DMA,
        ],
    )(_body)
    return run(data_flat, table)


def kernel(data, table):
    data_flat = data.astype(jnp.int32).reshape(NUM_WORKERS, ROWS_PER_WORKER)
    out = _embed(data_flat, table)
    return out.reshape(BATCH, FIELDS, EMBED)

# --- scband reference (transcript-rebuilt; emitter-appended) ---
"""Pipeline reference for scband-feature-embedding-2602750182081 (READ-ONLY COPY).

The authoritative reference and input builder live on the scoring server;
editing this copy changes nothing except your own understanding.
"""

import jax, jax.numpy as jnp
import numpy as np

FEATURE_DIMS = [3847] * 26
OFFSET = np.array([0, *np.cumsum(FEATURE_DIMS)[:-1]], dtype=np.int64)
VOCAB = int(sum(FEATURE_DIMS))
EMBED = 128
BATCH = 16384


def setup_inputs(seed: int = 0) -> dict:
    key = jax.random.key(seed)
    k1, k2 = jax.random.split(key)
    data = jax.random.randint(k1, (BATCH, len(FEATURE_DIMS)), 0, 3847)
    # xavier_uniform init for the embedding table
    limit = float(np.sqrt(6.0 / (VOCAB + EMBED)))
    table = jax.random.uniform(k2, (VOCAB, EMBED), minval=-limit, maxval=limit, dtype=jnp.float32)
    return {"data": data, "table": table}


def reference(data, table):
    # data: int[B, F]; add per-field offsets so each field indexes its own slice of the shared table
    idx = data + jnp.asarray(OFFSET, dtype=data.dtype)[None, :]
    return jnp.take(table, idx, axis=0)  # [B, F, EMBED]

if __name__ == "__main__":
    import jax
    _d = setup_inputs()
    print(jax.jit(kernel)(*tuple(_d.values())))

</pallas_src>

<mosaic_0001>
#map = affine_map<(d0, d1) -> (0, 0)>
module attributes {stable_mosaic.version = 14 : i64} {
  func.func @_body(%arg0: i32, %arg1: i32, %arg2: memref<32x13312xi32, #tpu.memory_space<hbm>>, %arg3: memref<100022x128xf32, #tpu.memory_space<hbm>>, %arg4: memref<425984x128xf32, #tpu.memory_space<hbm>>, %arg5: memref<13312xi32, #tpu.memory_space<vmem>>, %arg6: memref<8x104x128xf32, #tpu.memory_space<vmem>>, %arg7: memref<!tpu.dma_semaphore, #tpu.memory_space<semaphore_mem>>, %arg8: memref<!tpu.dma_semaphore, #tpu.memory_space<semaphore_mem>>) attributes {dimension_semantics = [#tpu.dimension_semantics<core_parallel>, #tpu.dimension_semantics<subcore_parallel>], iteration_bounds = array<i64: 2, 16>, scalar_prefetch = 0 : i64, scratch_operands = 4 : i64, tpu.core_type = #tpu.core_type<sc_vector_subcore>, window_params = [{transform_indices = #map}, {transform_indices = #map}, {transform_indices = #map}]} {
    %mul3A = arith.constant 2 : i32
    %mul3A_0 = arith.muli %arg1, %mul3A : i32
    %add3A = arith.addi %mul3A_0, %arg0 : i32
    %mul3A_1 = arith.constant 13312 : i32
    %mul3A_2 = arith.muli %add3A, %mul3A_1 : i32
    "tpu.region"() ({
      %run_scoped3A = tpu.sem_alloc : memref<!tpu.dma_semaphore, #tpu.memory_space<semaphore_mem>>
      %dma_start3A_607 = arith.constant 0 : i32
      %dma_start3A_608 = tpu.memref_slice %arg2[%add3A, %dma_start3A_607] : memref<32x13312xi32, #tpu.memory_space<hbm>> -> memref<1x13312xi32, #tpu.memory_space<hbm>>
      %dma_start3A_609 = tpu.memref_squeeze %dma_start3A_608 : memref<1x13312xi32, #tpu.memory_space<hbm>> -> memref<13312xi32, #tpu.memory_space<hbm>>
      %dma_start3A_610 = arith.constant 0 : i32
      %dma_start3A_611 = tpu.memref_slice %arg2[%add3A, %dma_start3A_610] : memref<32x13312xi32, #tpu.memory_space<hbm>> -> memref<1x13312xi32, #tpu.memory_space<hbm>>
      %dma_start3A_612 = tpu.memref_squeeze %dma_start3A_611 : memref<1x13312xi32, #tpu.memory_space<hbm>> -> memref<13312xi32, #tpu.memory_space<hbm>>
      tpu.enqueue_dma source(%dma_start3A_612 : memref<13312xi32, #tpu.memory_space<hbm>>) target(%arg5 : memref<13312xi32, #tpu.memory_space<vmem>>) target_semaphore(%run_scoped3A : memref<!tpu.dma_semaphore, #tpu.memory_space<semaphore_mem>>)
      %dma_wait3A_613 = arith.constant 0 : i32
      %dma_wait3A_614 = tpu.memref_slice %arg2[%add3A, %dma_wait3A_613] : memref<32x13312xi32, #tpu.memory_space<hbm>> -> memref<1x13312xi32, #tpu.memory_space<hbm>>
      %dma_wait3A_615 = tpu.memref_squeeze %dma_wait3A_614 : memref<1x13312xi32, #tpu.memory_space<hbm>> -> memref<13312xi32, #tpu.memory_space<hbm>>
      %dma_wait3A_616 = arith.constant 0 : i32
      %dma_wait3A_617 = tpu.memref_slice %arg2[%add3A, %dma_wait3A_616] : memref<32x13312xi32, #tpu.memory_space<hbm>> -> memref<1x13312xi32, #tpu.memory_space<hbm>>
      %dma_wait3A_618 = tpu.memref_squeeze %dma_wait3A_617 : memref<1x13312xi32, #tpu.memory_space<hbm>> -> memref<13312xi32, #tpu.memory_space<hbm>>
      tpu.wait_dma2 semaphore(%run_scoped3A : memref<!tpu.dma_semaphore, #tpu.memory_space<semaphore_mem>>) src(%dma_wait3A_618 : memref<13312xi32, #tpu.memory_space<hbm>>) dst(%arg5 : memref<13312xi32, #tpu.memory_space<vmem>>)
      tpu.yield
    }) : () -> ()
    %iota3A = tpu.iota {dimensions = array<i32: 0>} : vector<16xi32>
    %add3A_3 = arith.constant 0 : i32
    %add3A_4 = vector.broadcast %add3A_3 : i32 to vector<16xi32>
    %add3A_5 = arith.addi %add3A_4, %iota3A : vector<16xi32>
    %rem3A = arith.constant 26 : i32
    %rem3A_6 = vector.broadcast %rem3A : i32 to vector<16xi32>
    %rem3A_7 = arith.remsi %add3A_5, %rem3A_6 : vector<16xi32>
    %mul3A_8 = arith.constant 3847 : i32
    %mul3A_9 = vector.broadcast %mul3A_8 : i32 to vector<16xi32>
    %mul3A_10 = arith.muli %rem3A_7, %mul3A_9 : vector<16xi32>
    %get3A = arith.constant 0 : index
    %get3A_11 = tpu.vector_load %arg5[%get3A] {strides = array<i32>} : memref<13312xi32, #tpu.memory_space<vmem>>, vector<16xi32>,
    %get3A_12 = vector.shape_cast %get3A_11 : vector<16xi32> to vector<16xi32>
    %add3A_13 = arith.addi %get3A_12, %mul3A_10 : vector<16xi32>
    %swap3A = arith.constant 0 : index
    %swap3A_14 = tpu.vector_load %arg5[%swap3A] {strides = array<i32>} : memref<13312xi32, #tpu.memory_space<vmem>>, vector<16xi32>,
    %swap3A_15 = vector.shape_cast %swap3A_14 : vector<16xi32> to vector<16xi32>
    %swap3A_16 = vector.shape_cast %add3A_13 : vector<16xi32> to vector<16xi32>
    tpu.vector_store %arg5[%swap3A], %swap3A_16 {strides = array<i32>} : memref<13312xi32, #tpu.memory_space<vmem>>, vector<16xi32>,
    %iota3A_17 = tpu.iota {dimensions = array<i32: 0>} : vector<16xi32>
    %add3A_18 = arith.constant 16 : i32
    %add3A_19 = vector.broadcast %add3A_18 : i32 to vector<16xi32>
    %add3A_20 = arith.addi %add3A_19, %iota3A_17 : vector<16xi32>
    %rem3A_21 = arith.constant 26 : i32
    %rem3A_22 = vector.broadcast %rem3A_21 : i32 to vector<16xi32>
    %rem3A_23 = arith.remsi %add3A_20, %rem3A_22 : vector<16xi32>
    %mul3A_24 = arith.constant 3847 : i32
    %mul3A_25 = vector.broadcast %mul3A_24 : i32 to vector<16xi32>
    %mul3A_26 = arith.muli %rem3A_23, %mul3A_25 : vector<16xi32>
    %get3A_27 = arith.constant 16 : index
    %get3A_28 = tpu.vector_load %arg5[%get3A_27] {strides = array<i32>} : memref<13312xi32, #tpu.memory_space<vmem>>, vector<16xi32>,
    %get3A_29 = vector.shape_cast %get3A_28 : vector<16xi32> to vector<16xi32>
    %add3A_30 = arith.addi %get3A_29, %mul3A_26 : vector<16xi32>
    %swap3A_31 = arith.constant 16 : index
    %swap3A_32 = tpu.vector_load %arg5[%swap3A_31] {strides = array<i32>} : memref<13312xi32, #tpu.memory_space<vmem>>, vector<16xi32>,
    %swap3A_33 = vector.shape_cast %swap3A_32 : vector<16xi32> to vector<16xi32>
    %swap3A_34 = vector.shape_cast %add3A_30 : vector<16xi32> to vector<16xi32>
    tpu.vector_store %arg5[%swap3A_31], %swap3A_34 {strides = array<i32>} : memref<13312xi32, #tpu.memory_space<vmem>>, vector<16xi32>,
    %iota3A_35 = tpu.iota {dimensions = array<i32: 0>} : vector<16xi32>
    %add3A_36 = arith.constant 32 : i32
    %add3A_37 = vector.broadcast %add3A_36 : i32 to vector<16xi32>
    %add3A_38 = arith.addi %add3A_37, %iota3A_35 : vector<16xi32>
    %rem3A_39 = arith.constant 26 : i32
    %rem3A_40 = vector.broadcast %rem3A_39 : i32 to vector<16xi32>
    %rem3A_41 = arith.remsi %add3A_38, %rem3A_40 : vector<16xi32>
    %mul3A_42 = arith.constant 3847 : i32
    %mul3A_43 = vector.broadcast %mul3A_42 : i32 to vector<16xi32>
    %mul3A_44 = arith.muli %rem3A_41, %mul3A_43 : vector<16xi32>
    %get3A_45 = arith.constant 32 : index
    %get3A_46 = tpu.vector_load %arg5[%get3A_45] {strides = array<i32>} : memref<13312xi32, #tpu.memory_space<vmem>>, vector<16xi32>,
    %get3A_47 = vector.shape_cast %get3A_46 : vector<16xi32> to vector<16xi32>
    %add3A_48 = arith.addi %get3A_47, %mul3A_44 : vector<16xi32>
    %swap3A_49 = arith.constant 32 : index
    %swap3A_50 = tpu.vector_load %arg5[%swap3A_49] {strides = array<i32>} : memref<13312xi32, #tpu.memory_space<vmem>>, vector<16xi32>,
    %swap3A_51 = vector.shape_cast %swap3A_50 : vector<16xi32> to vector<16xi32>
    %swap3A_52 = vector.shape_cast %add3A_48 : vector<16xi32> to vector<16xi32>
    tpu.vector_store %arg5[%swap3A_49], %swap3A_52 {strides = array<i32>} : memref<13312xi32, #tpu.memory_space<vmem>>, vector<16xi32>,
    %iota3A_53 = tpu.iota {dimensions = array<i32: 0>} : vector<16xi32>
    %add3A_54 = arith.constant 48 : i32
    %add3A_55 = vector.broadcast %add3A_54 : i32 to vector<16xi32>
    %add3A_56 = arith.addi %add3A_55, %iota3A_53 : vector<16xi32>
    %rem3A_57 = arith.constant 26 : i32
    %rem3A_58 = vector.broadcast %rem3A_57 : i32 to vector<16xi32>
    %rem3A_59 = arith.remsi %add3A_56, %rem3A_58 : vector<16xi32>
    %mul3A_60 = arith.constant 3847 : i32
    %mul3A_61 = vector.broadcast %mul3A_60 : i32 to vector<16xi32>
    %mul3A_62 = arith.muli %rem3A_59, %mul3A_61 : vector<16xi32>
    %get3A_63 = arith.constant 48 : index
    %get3A_64 = tpu.vector_load %arg5[%get3A_63] {strides = array<i32>} : memref<13312xi32, #tpu.memory_space<vmem>>, vector<16xi32>,
    %get3A_65 = vector.shape_cast %get3A_64 : vector<16xi32> to vector<16xi32>
    %add3A_66 = arith.addi %get3A_65, %mul3A_62 : vector<16xi32>
    %swap3A_67 = arith.constant 48 : index
    %swap3A_68 = tpu.vector_load %arg5[%swap3A_67] {strides = array<i32>} : memref<13312xi32, #tpu.memory_space<vmem>>, vector<16xi32>,
    %swap3A_69 = vector.shape_cast %swap3A_68 : vector<16xi32> to vector<16xi32>
    %swap3A_70 = vector.shape_cast %add3A_66 : vector<16xi32> to vector<16xi32>
    tpu.vector_store %arg5[%swap3A_67], %swap3A_70 {strides = array<i32>} : memref<13312xi32, #tpu.memory_space<vmem>>, vector<16xi32>,
    %iota3A_71 = tpu.iota {dimensions = array<i32: 0>} : vector<16xi32>
    %add3A_72 = arith.constant 64 : i32
    %add3A_73 = vector.broadcast %add3A_72 : i32 to vector<16xi32>
    %add3A_74 = arith.addi %add3A_73, %iota3A_71 : vector<16xi32>
    %rem3A_75 = arith.constant 26 : i32
    %rem3A_76 = vector.broadcast %rem3A_75 : i32 to vector<16xi32>
    %rem3A_77 = arith.remsi %add3A_74, %rem3A_76 : vector<16xi32>
    %mul3A_78 = arith.constant 3847 : i32
    %mul3A_79 = vector.broadcast %mul3A_78 : i32 to vector<16xi32>
    %mul3A_80 = arith.muli %rem3A_77, %mul3A_79 : vector<16xi32>
    %get3A_81 = arith.constant 64 : index
    %get3A_82 = tpu.vector_load %arg5[%get3A_81] {strides = array<i32>} : memref<13312xi32, #tpu.memory_space<vmem>>, vector<16xi32>,
    %get3A_83 = vector.shape_cast %get3A_82 : vector<16xi32> to vector<16xi32>
    %add3A_84 = arith.addi %get3A_83, %mul3A_80 : vector<16xi32>
    %swap3A_85 = arith.constant 64 : index
    %swap3A_86 = tpu.vector_load %arg5[%swap3A_85] {strides = array<i32>} : memref<13312xi32, #tpu.memory_space<vmem>>, vector<16xi32>,
    %swap3A_87 = vector.shape_cast %swap3A_86 : vector<16xi32> to vector<16xi32>
    %swap3A_88 = vector.shape_cast %add3A_84 : vector<16xi32> to vector<16xi32>
    tpu.vector_store %arg5[%swap3A_85], %swap3A_88 {strides = array<i32>} : memref<13312xi32, #tpu.memory_space<vmem>>, vector<16xi32>,
    %iota3A_89 = tpu.iota {dimensions = array<i32: 0>} : vector<16xi32>
    %add3A_90 = arith.constant 80 : i32
    %add3A_91 = vector.broadcast %add3A_90 : i32 to vector<16xi32>
    %add3A_92 = arith.addi %add3A_91, %iota3A_89 : vector<16xi32>
    %rem3A_93 = arith.constant 26 : i32
    %rem3A_94 = vector.broadcast %rem3A_93 : i32 to vector<16xi32>
    %rem3A_95 = arith.remsi %add3A_92, %rem3A_94 : vector<16xi32>
    %mul3A_96 = arith.constant 3847 : i32
    %mul3A_97 = vector.broadcast %mul3A_96 : i32 to vector<16xi32>
    %mul3A_98 = arith.muli %rem3A_95, %mul3A_97 : vector<16xi32>
    %get3A_99 = arith.constant 80 : index
    %get3A_100 = tpu.vector_load %arg5[%get3A_99] {strides = array<i32>} : memref<13312xi32, #tpu.memory_space<vmem>>, vector<16xi32>,
    %get3A_101 = vector.shape_cast %get3A_100 : vector<16xi32> to vector<16xi32>
    %add3A_102 = arith.addi %get3A_101, %mul3A_98 : vector<16xi32>
    %swap3A_103 = arith.constant 80 : index
    %swap3A_104 = tpu.vector_load %arg5[%swap3A_103] {strides = array<i32>} : memref<13312xi32, #tpu.memory_space<vmem>>, vector<16xi32>,
    %swap3A_105 = vector.shape_cast %swap3A_104 : vector<16xi32> to vector<16xi32>
    %swap3A_106 = vector.shape_cast %add3A_102 : vector<16xi32> to vector<16xi32>
    tpu.vector_store %arg5[%swap3A_103], %swap3A_106 {strides = array<i32>} : memref<13312xi32, #tpu.memory_space<vmem>>, vector<16xi32>,
    %iota3A_107 = tpu.iota {dimensions = array<i32: 0>} : vector<16xi32>
    %add3A_108 = arith.constant 96 : i32
    %add3A_109 = vector.broadcast %add3A_108 : i32 to vector<16xi32>
    %add3A_110 = arith.addi %add3A_109, %iota3A_107 : vector<16xi32>
    %rem3A_111 = arith.constant 26 : i32
    %rem3A_112 = vector.broadcast %rem3A_111 : i32 to vector<16xi32>
    %rem3A_113 = arith.remsi %add3A_110, %rem3A_112 : vector<16xi32>
    %mul3A_114 = arith.constant 3847 : i32
    %mul3A_115 = vector.broadcast %mul3A_114 : i32 to vector<16xi32>
    %mul3A_116 = arith.muli %rem3A_113, %mul3A_115 : vector<16xi32>
    %get3A_117 = arith.constant 96 : index
    %get3A_118 = tpu.vector_load %arg5[%get3A_117] {strides = array<i32>} : memref<13312xi32, #tpu.memory_space<vmem>>, vector<16xi32>,
    %get3A_119 = vector.shape_cast %get3A_118 : vector<16xi32> to vector<16xi32>
    %add3A_120 = arith.addi %get3A_119, %mul3A_116 : vector<16xi32>
    %swap3A_121 = arith.constant 96 : index
    %swap3A_122 = tpu.vector_load %arg5[%swap3A_121] {strides = array<i32>} : memref<13312xi32, #tpu.memory_space<vmem>>, vector<16xi32>,
    %swap3A_123 = vector.shape_cast %swap3A_122 : vector<16xi32> to vector<16xi32>
    %swap3A_124 = vector.shape_cast %add3A_120 : vector<16xi32> to vector<16xi32>
    tpu.vector_store %arg5[%swap3A_121], %swap3A_124 {strides = array<i32>} : memref<13312xi32, #tpu.memory_space<vmem>>, vector<16xi32>,
    %iota3A_125 = tpu.iota {dimensions = array<i32: 0>} : vector<16xi32>
    %add3A_126 = arith.constant 112 : i32
    %add3A_127 = vector.broadcast %add3A_126 : i32 to vector<16xi32>
    %add3A_128 = arith.addi %add3A_127, %iota3A_125 : vector<16xi32>
    %rem3A_129 = arith.constant 26 : i32
    %rem3A_130 = vector.broadcast %rem3A_129 : i32 to vector<16xi32>
    %rem3A_131 = arith.remsi %add3A_128, %rem3A_130 : vector<16xi32>
    %mul3A_132 = arith.constant 3847 : i32
    %mul3A_133 = vector.broadcast %mul3A_132 : i32 to vector<16xi32>
    %mul3A_134 = arith.muli %rem3A_131, %mul3A_133 : vector<16xi32>
    %get3A_135 = arith.constant 112 : index
    %get3A_136 = tpu.vector_load %arg5[%get3A_135] {strides = array<i32>} : memref<13312xi32, #tpu.memory_space<vmem>>, vector<16xi32>,
    %get3A_137 = vector.shape_cast %get3A_136 : vector<16xi32> to vector<16xi32>
    %add3A_138 = arith.addi %get3A_137, %mul3A_134 : vector<16xi32>
    %swap3A_139 = arith.constant 112 : index
    %swap3A_140 = tpu.vector_load %arg5[%swap3A_139] {strides = array<i32>} : memref<13312xi32, #tpu.memory_space<vmem>>, vector<16xi32>,
    %swap3A_141 = vector.shape_cast %swap3A_140 : vector<16xi32> to vector<16xi32>
    %swap3A_142 = vector.shape_cast %add3A_138 : vector<16xi32> to vector<16xi32>
    tpu.vector_store %arg5[%swap3A_139], %swap3A_142 {strides = array<i32>} : memref<13312xi32, #tpu.memory_space<vmem>>, vector<16xi32>,
    %iota3A_143 = tpu.iota {dimensions = array<i32: 0>} : vector<16xi32>
    %add3A_144 = arith.constant 128 : i32
    %add3A_145 = vector.broadcast %add3A_144 : i32 to vector<16xi32>
    %add3A_146 = arith.addi %add3A_145, %iota3A_143 : vector<16xi32>
    %rem3A_147 = arith.constant 26 : i32
    %rem3A_148 = vector.broadcast %rem3A_147 : i32 to vector<16xi32>
    %rem3A_149 = arith.remsi %add3A_146, %rem3A_148 : vector<16xi32>
    %mul3A_150 = arith.constant 3847 : i32
    %mul3A_151 = vector.broadcast %mul3A_150 : i32 to vector<16xi32>
    %mul3A_152 = arith.muli %rem3A_149, %mul3A_151 : vector<16xi32>
    %get3A_153 = arith.constant 128 : index
    %get3A_154 = tpu.vector_load %arg5[%get3A_153] {strides = array<i32>} : memref<13312xi32, #tpu.memory_space<vmem>>, vector<16xi32>,
    %get3A_155 = vector.shape_cast %get3A_154 : vector<16xi32> to vector<16xi32>
    %add3A_156 = arith.addi %get3A_155, %mul3A_152 : vector<16xi32>
    %swap3A_157 = arith.constant 128 : index
    %swap3A_158 = tpu.vector_load %arg5[%swap3A_157] {strides = array<i32>} : memref<13312xi32, #tpu.memory_space<vmem>>, vector<16xi32>,
    %swap3A_159 = vector.shape_cast %swap3A_158 : vector<16xi32> to vector<16xi32>
    %swap3A_160 = vector.shape_cast %add3A_156 : vector<16xi32> to vector<16xi32>
    tpu.vector_store %arg5[%swap3A_157], %swap3A_160 {strides = array<i32>} : memref<13312xi32, #tpu.memory_space<vmem>>, vector<16xi32>,
    %iota3A_161 = tpu.iota {dimensions = array<i32: 0>} : vector<16xi32>
    %add3A_162 = arith.constant 144 : i32
    %add3A_163 = vector.broadcast %add3A_162 : i32 to vector<16xi32>
    %add3A_164 = arith.addi %add3A_163, %iota3A_161 : vector<16xi32>
    %rem3A_165 = arith.constant 26 : i32
    %rem3A_166 = vector.broadcast %rem3A_165 : i32 to vector<16xi32>
    %rem3A_167 = arith.remsi %add3A_164, %rem3A_166 : vector<16xi32>
    %mul3A_168 = arith.constant 3847 : i32
    %mul3A_169 = vector.broadcast %mul3A_168 : i32 to vector<16xi32>
    %mul3A_170 = arith.muli %rem3A_167, %mul3A_169 : vector<16xi32>
    %get3A_171 = arith.constant 144 : index
    %get3A_172 = tpu.vector_load %arg5[%get3A_171] {strides = array<i32>} : memref<13312xi32, #tpu.memory_space<vmem>>, vector<16xi32>,
    %get3A_173 = vector.shape_cast %get3A_172 : vector<16xi32> to vector<16xi32>
    %add3A_174 = arith.addi %get3A_173, %mul3A_170 : vector<16xi32>
    %swap3A_175 = arith.constant 144 : index
    %swap3A_176 = tpu.vector_load %arg5[%swap3A_175] {strides = array<i32>} : memref<13312xi32, #tpu.memory_space<vmem>>, vector<16xi32>,
    %swap3A_177 = vector.shape_cast %swap3A_176 : vector<16xi32> to vector<16xi32>
    %swap3A_178 = vector.shape_cast %add3A_174 : vector<16xi32> to vector<16xi32>
    tpu.vector_store %arg5[%swap3A_175], %swap3A_178 {strides = array<i32>} : memref<13312xi32, #tpu.memory_space<vmem>>, vector<16xi32>,
    %iota3A_179 = tpu.iota {dimensions = array<i32: 0>} : vector<16xi32>
    %add3A_180 = arith.constant 160 : i32
    %add3A_181 = vector.broadcast %add3A_180 : i32 to vector<16xi32>
    %add3A_182 = arith.addi %add3A_181, %iota3A_179 : vector<16xi32>
    %rem3A_183 = arith.constant 26 : i32
    %rem3A_184 = vector.broadcast %rem3A_183 : i32 to vector<16xi32>
    %rem3A_185 = arith.remsi %add3A_182, %rem3A_184 : vector<16xi32>
    %mul3A_186 = arith.constant 3847 : i32
    %mul3A_187 = vector.broadcast %mul3A_186 : i32 to vector<16xi32>
    %mul3A_188 = arith.muli %rem3A_185, %mul3A_187 : vector<16xi32>
    %get3A_189 = arith.constant 160 : index
    %get3A_190 = tpu.vector_load %arg5[%get3A_189] {strides = array<i32>} : memref<13312xi32, #tpu.memory_space<vmem>>, vector<16xi32>,
    %get3A_191 = vector.shape_cast %get3A_190 : vector<16xi32> to vector<16xi32>
    %add3A_192 = arith.addi %get3A_191, %mul3A_188 : vector<16xi32>
    %swap3A_193 = arith.constant 160 : index
    %swap3A_194 = tpu.vector_load %arg5[%swap3A_193] {strides = array<i32>} : memref<13312xi32, #tpu.memory_space<vmem>>, vector<16xi32>,
    %swap3A_195 = vector.shape_cast %swap3A_194 : vector<16xi32> to vector<16xi32>
    %swap3A_196 = vector.shape_cast %add3A_192 : vector<16xi32> to vector<16xi32>
    tpu.vector_store %arg5[%swap3A_193], %swap3A_196 {strides = array<i32>} : memref<13312xi32, #tpu.memory_space<vmem>>, vector<16xi32>,
    %iota3A_197 = tpu.iota {dimensions = array<i32: 0>} : vector<16xi32>
    %add3A_198 = arith.constant 176 : i32
    %add3A_199 = vector.broadcast %add3A_198 : i32 to vector<16xi32>
    %add3A_200 = arith.addi %add3A_199, %iota3A_197 : vector<16xi32>
    %rem3A_201 = arith.constant 26 : i32
    %rem3A_202 = vector.broadcast %rem3A_201 : i32 to vector<16xi32>
    %rem3A_203 = arith.remsi %add3A_200, %rem3A_202 : vector<16xi32>
    %mul3A_204 = arith.constant 3847 : i32
    %mul3A_205 = vector.broadcast %mul3A_204 : i32 to vector<16xi32>
    %mul3A_206 = arith.muli %rem3A_203, %mul3A_205 : vector<16xi32>
    %get3A_207 = arith.constant 176 : index
    %get3A_208 = tpu.vector_load %arg5[%get3A_207] {strides = array<i32>} : memref<13312xi32, #tpu.memory_space<vmem>>, vector<16xi32>,
    %get3A_209 = vector.shape_cast %get3A_208 : vector<16xi32> to vector<16xi32>
    %add3A_210 = arith.addi %get3A_209, %mul3A_206 : vector<16xi32>
    %swap3A_211 = arith.constant 176 : index
    %swap3A_212 = tpu.vector_load %arg5[%swap3A_211] {strides = array<i32>} : memref<13312xi32, #tpu.memory_space<vmem>>, vector<16xi32>,
    %swap3A_213 = vector.shape_cast %swap3A_212 : vector<16xi32> to vector<16xi32>
    %swap3A_214 = vector.shape_cast %add3A_210 : vector<16xi32> to vector<16xi32>
    tpu.vector_store %arg5[%swap3A_211], %swap3A_214 {strides = array<i32>} : memref<13312xi32, #tpu.memory_space<vmem>>, vector<16xi32>,
    %iota3A_215 = tpu.iota {dimensions = array<i32: 0>} : vector<16xi32>
    %add3A_216 = arith.constant 192 : i32
    %add3A_217 = vector.broadcast %add3A_216 : i32 to vector<16xi32>
    %add3A_218 = arith.addi %add3A_217, %iota3A_215 : vector<16xi32>
    %rem3A_219 = arith.constant 26 : i32
    %rem3A_220 = vector.broadcast %rem3A_219 : i32 to vector<16xi32>
    %rem3A_221 = arith.remsi %add3A_218, %rem3A_220 : vector<16xi32>
    %mul3A_222 = arith.constant 3847 : i32
    %mul3A_223 = vector.broadcast %mul3A_222 : i32 to vector<16xi32>
    %mul3A_224 = arith.muli %rem3A_221, %mul3A_223 : vector<16xi32>
    %get3A_225 = arith.constant 192 : index
    %get3A_226 = tpu.vector_load %arg5[%get3A_225] {strides = array<i32>} : memref<13312xi32, #tpu.memory_space<vmem>>, vector<16xi32>,
    %get3A_227 = vector.shape_cast %get3A_226 : vector<16xi32> to vector<16xi32>
    %add3A_228 = arith.addi %get3A_227, %mul3A_224 : vector<16xi32>
    %swap3A_229 = arith.constant 192 : index
    %swap3A_230 = tpu.vector_load %arg5[%swap3A_229] {strides = array<i32>} : memref<13312xi32, #tpu.memory_space<vmem>>, vector<16xi32>,
    %swap3A_231 = vector.shape_cast %swap3A_230 : vector<16xi32> to vector<16xi32>
    %swap3A_232 = vector.shape_cast %add3A_228 : vector<16xi32> to vector<16xi32>
    tpu.vector_store %arg5[%swap3A_229], %swap3A_232 {strides = array<i32>} : memref<13312xi32, #tpu.memory_space<vmem>>, vector<16xi32>,
    %rem3A_233 = arith.constant 0 : i32
    %rem3A_234 = arith.constant 4 : i32
    %rem3A_235 = arith.remsi %rem3A_233, %rem3A_234 : i32
    %mul3A_236 = arith.constant 2 : i32
    %mul3A_237 = arith.muli %rem3A_235, %mul3A_236 : i32
    %add3A_238 = arith.constant 0 : i32
    %add3A_239 = arith.addi %mul3A_237, %add3A_238 : i32
    %dma_start3A = arith.constant 0 : i32
    %dma_start3A_240 = arith.constant 0 : i32
    %dma_start3A_241 = tpu.memref_slice %arg6[%add3A_239, %dma_start3A, %dma_start3A_240] : memref<8x104x128xf32, #tpu.memory_space<vmem>> -> memref<1x104x128xf32, #tpu.memory_space<vmem>>
    %dma_start3A_242 = tpu.memref_squeeze %dma_start3A_241 : memref<1x104x128xf32, #tpu.memory_space<vmem>> -> memref<104x128xf32, #tpu.memory_space<vmem>>
    %dma_start3A_243 = arith.constant 0 : i32
    %dma_start3A_244 = tpu.memref_slice %arg5[%dma_start3A_243] : memref<13312xi32, #tpu.memory_space<vmem>> -> memref<104xi32, #tpu.memory_space<vmem>>
    %dma_start3A_245 = arith.constant 0 : i32
    %dma_start3A_246 = arith.constant 0 : i32
    %dma_start3A_247 = tpu.memref_slice %arg3[%dma_start3A_245, %dma_start3A_246] : memref<100022x128xf32, #tpu.memory_space<hbm>> -> memref<100022x128xf32, #tpu.memory_space<hbm>>
    tpu.enqueue_indirect_dma source(%dma_start3A_247 : memref<100022x128xf32, #tpu.memory_space<hbm>>) target(%dma_start3A_242 : memref<104x128xf32, #tpu.memory_space<vmem>>) offsets(%dma_start3A_244 : memref<104xi32, #tpu.memory_space<vmem>>) semaphore(%arg7 : memref<!tpu.dma_semaphore, #tpu.memory_space<semaphore_mem>>)
    %mul3A_248 = arith.constant 2 : i32
    %mul3A_249 = arith.muli %rem3A_235, %mul3A_248 : i32
    %add3A_250 = arith.constant 1 : i32
    %add3A_251 = arith.addi %mul3A_249, %add3A_250 : i32
    %dma_start3A_252 = arith.constant 0 : i32
    %dma_start3A_253 = arith.constant 0 : i32
    %dma_start3A_254 = tpu.memref_slice %arg6[%add3A_251, %dma_start3A_252, %dma_start3A_253] : memref<8x104x128xf32, #tpu.memory_space<vmem>> -> memref<1x104x128xf32, #tpu.memory_space<vmem>>
    %dma_start3A_255 = tpu.memref_squeeze %dma_start3A_254 : memref<1x104x128xf32, #tpu.memory_space<vmem>> -> memref<104x128xf32, #tpu.memory_space<vmem>>
    %dma_start3A_256 = arith.constant 104 : i32
    %dma_start3A_257 = tpu.memref_slice %arg5[%dma_start3A_256] : memref<13312xi32, #tpu.memory_space<vmem>> -> memref<104xi32, #tpu.memory_space<vmem>>
    %dma_start3A_258 = arith.constant 0 : i32
    %dma_start3A_259 = arith.constant 0 : i32
    %dma_start3A_260 = tpu.memref_slice %arg3[%dma_start3A_258, %dma_start3A_259] : memref<100022x128xf32, #tpu.memory_space<hbm>> -> memref<100022x128xf32, #tpu.memory_space<hbm>>
    tpu.enqueue_indirect_dma source(%dma_start3A_260 : memref<100022x128xf32, #tpu.memory_space<hbm>>) target(%dma_start3A_255 : memref<104x128xf32, #tpu.memory_space<vmem>>) offsets(%dma_start3A_257 : memref<104xi32, #tpu.memory_space<vmem>>) semaphore(%arg7 : memref<!tpu.dma_semaphore, #tpu.memory_space<semaphore_mem>>)
    %iota3A_261 = tpu.iota {dimensions = array<i32: 0>} : vector<16xi32>
    %add3A_262 = arith.constant 208 : i32
    %add3A_263 = vector.broadcast %add3A_262 : i32 to vector<16xi32>
    %add3A_264 = arith.addi %add3A_263, %iota3A_261 : vector<16xi32>
    %rem3A_265 = arith.constant 26 : i32
    %rem3A_266 = vector.broadcast %rem3A_265 : i32 to vector<16xi32>
    %rem3A_267 = arith.remsi %add3A_264, %rem3A_266 : vector<16xi32>
    %mul3A_268 = arith.constant 3847 : i32
    %mul3A_269 = vector.broadcast %mul3A_268 : i32 to vector<16xi32>
    %mul3A_270 = arith.muli %rem3A_267, %mul3A_269 : vector<16xi32>
    %get3A_271 = arith.constant 208 : index
    %get3A_272 = tpu.vector_load %arg5[%get3A_271] {strides = array<i32>} : memref<13312xi32, #tpu.memory_space<vmem>>, vector<16xi32>,
    %get3A_273 = vector.shape_cast %get3A_272 : vector<16xi32> to vector<16xi32>
    %add3A_274 = arith.addi %get3A_273, %mul3A_270 : vector<16xi32>
    %swap3A_275 = arith.constant 208 : index
    %swap3A_276 = tpu.vector_load %arg5[%swap3A_275] {strides = array<i32>} : memref<13312xi32, #tpu.memory_space<vmem>>, vector<16xi32>,
    %swap3A_277 = vector.shape_cast %swap3A_276 : vector<16xi32> to vector<16xi32>
    %swap3A_278 = vector.shape_cast %add3A_274 : vector<16xi32> to vector<16xi32>
    tpu.vector_store %arg5[%swap3A_275], %swap3A_278 {strides = array<i32>} : memref<13312xi32, #tpu.memory_space<vmem>>, vector<16xi32>,
    %iota3A_279 = tpu.iota {dimensions = array<i32: 0>} : vector<16xi32>
    %add3A_280 = arith.constant 224 : i32
    %add3A_281 = vector.broadcast %add3A_280 : i32 to vector<16xi32>
    %add3A_282 = arith.addi %add3A_281, %iota3A_279 : vector<16xi32>
    %rem3A_283 = arith.constant 26 : i32
    %rem3A_284 = vector.broadcast %rem3A_283 : i32 to vector<16xi32>
    %rem3A_285 = arith.remsi %add3A_282, %rem3A_284 : vector<16xi32>
    %mul3A_286 = arith.constant 3847 : i32
    %mul3A_287 = vector.broadcast %mul3A_286 : i32 to vector<16xi32>
    %mul3A_288 = arith.muli %rem3A_285, %mul3A_287 : vector<16xi32>
    %get3A_289 = arith.constant 224 : index
    %get3A_290 = tpu.vector_load %arg5[%get3A_289] {strides = array<i32>} : memref<13312xi32, #tpu.memory_space<vmem>>, vector<16xi32>,
    %get3A_291 = vector.shape_cast %get3A_290 : vector<16xi32> to vector<16xi32>
    %add3A_292 = arith.addi %get3A_291, %mul3A_288 : vector<16xi32>
    %swap3A_293 = arith.constant 224 : index
    %swap3A_294 = tpu.vector_load %arg5[%swap3A_293] {strides = array<i32>} : memref<13312xi32, #tpu.memory_space<vmem>>, vector<16xi32>,
    %swap3A_295 = vector.shape_cast %swap3A_294 : vector<16xi32> to vector<16xi32>
    %swap3A_296 = vector.shape_cast %add3A_292 : vector<16xi32> to vector<16xi32>
    tpu.vector_store %arg5[%swap3A_293], %swap3A_296 {strides = array<i32>} : memref<13312xi32, #tpu.memory_space<vmem>>, vector<16xi32>,
    %iota3A_297 = tpu.iota {dimensions = array<i32: 0>} : vector<16xi32>
    %add3A_298 = arith.constant 240 : i32
    %add3A_299 = vector.broadcast %add3A_298 : i32 to vector<16xi32>
    %add3A_300 = arith.addi %add3A_299, %iota3A_297 : vector<16xi32>
    %rem3A_301 = arith.constant 26 : i32
    %rem3A_302 = vector.broadcast %rem3A_301 : i32 to vector<16xi32>
    %rem3A_303 = arith.remsi %add3A_300, %rem3A_302 : vector<16xi32>
    %mul3A_304 = arith.constant 3847 : i32
    %mul3A_305 = vector.broadcast %mul3A_304 : i32 to vector<16xi32>
    %mul3A_306 = arith.muli %rem3A_303, %mul3A_305 : vector<16xi32>
    %get3A_307 = arith.constant 240 : index
    %get3A_308 = tpu.vector_load %arg5[%get3A_307] {strides = array<i32>} : memref<13312xi32, #tpu.memory_space<vmem>>, vector<16xi32>,
    %get3A_309 = vector.shape_cast %get3A_308 : vector<16xi32> to vector<16xi32>
    %add3A_310 = arith.addi %get3A_309, %mul3A_306 : vector<16xi32>
    %swap3A_311 = arith.constant 240 : index
    %swap3A_312 = tpu.vector_load %arg5[%swap3A_311] {strides = array<i32>} : memref<13312xi32, #tpu.memory_space<vmem>>, vector<16xi32>,
    %swap3A_313 = vector.shape_cast %swap3A_312 : vector<16xi32> to vector<16xi32>
    %swap3A_314 = vector.shape_cast %add3A_310 : vector<16xi32> to vector<16xi32>
    tpu.vector_store %arg5[%swap3A_311], %swap3A_314 {strides = array<i32>} : memref<13312xi32, #tpu.memory_space<vmem>>, vector<16xi32>,
    %iota3A_315 = tpu.iota {dimensions = array<i32: 0>} : vector<16xi32>
    %add3A_316 = arith.constant 256 : i32
    %add3A_317 = vector.broadcast %add3A_316 : i32 to vector<16xi32>
    %add3A_318 = arith.addi %add3A_317, %iota3A_315 : vector<16xi32>
    %rem3A_319 = arith.constant 26 : i32
    %rem3A_320 = vector.broadcast %rem3A_319 : i32 to vector<16xi32>
    %rem3A_321 = arith.remsi %add3A_318, %rem3A_320 : vector<16xi32>
    %mul3A_322 = arith.constant 3847 : i32
    %mul3A_323 = vector.broadcast %mul3A_322 : i32 to vector<16xi32>
    %mul3A_324 = arith.muli %rem3A_321, %mul3A_323 : vector<16xi32>
    %get3A_325 = arith.constant 256 : index
    %get3A_326 = tpu.vector_load %arg5[%get3A_325] {strides = array<i32>} : memref<13312xi32, #tpu.memory_space<vmem>>, vector<16xi32>,
    %get3A_327 = vector.shape_cast %get3A_326 : vector<16xi32> to vector<16xi32>
    %add3A_328 = arith.addi %get3A_327, %mul3A_324 : vector<16xi32>
    %swap3A_329 = arith.constant 256 : index
    %swap3A_330 = tpu.vector_load %arg5[%swap3A_329] {strides = array<i32>} : memref<13312xi32, #tpu.memory_space<vmem>>, vector<16xi32>,
    %swap3A_331 = vector.shape_cast %swap3A_330 : vector<16xi32> to vector<16xi32>
    %swap3A_332 = vector.shape_cast %add3A_328 : vector<16xi32> to vector<16xi32>
    tpu.vector_store %arg5[%swap3A_329], %swap3A_332 {strides = array<i32>} : memref<13312xi32, #tpu.memory_space<vmem>>, vector<16xi32>,
    %iota3A_333 = tpu.iota {dimensions = array<i32: 0>} : vector<16xi32>
    %add3A_334 = arith.constant 272 : i32
    %add3A_335 = vector.broadcast %add3A_334 : i32 to vector<16xi32>
    %add3A_336 = arith.addi %add3A_335, %iota3A_333 : vector<16xi32>
    %rem3A_337 = arith.constant 26 : i32
    %rem3A_338 = vector.broadcast %rem3A_337 : i32 to vector<16xi32>
    %rem3A_339 = arith.remsi %add3A_336, %rem3A_338 : vector<16xi32>
    %mul3A_340 = arith.constant 3847 : i32
    %mul3A_341 = vector.broadcast %mul3A_340 : i32 to vector<16xi32>
    %mul3A_342 = arith.muli %rem3A_339, %mul3A_341 : vector<16xi32>
    %get3A_343 = arith.constant 272 : index
    %get3A_344 = tpu.vector_load %arg5[%get3A_343] {strides = array<i32>} : memref<13312xi32, #tpu.memory_space<vmem>>, vector<16xi32>,
    %get3A_345 = vector.shape_cast %get3A_344 : vector<16xi32> to vector<16xi32>
    %add3A_346 = arith.addi %get3A_345, %mul3A_342 : vector<16xi32>
    %swap3A_347 = arith.constant 272 : index
    %swap3A_348 = tpu.vector_load %arg5[%swap3A_347] {strides = array<i32>} : memref<13312xi32, #tpu.memory_space<vmem>>, vector<16xi32>,
    %swap3A_349 = vector.shape_cast %swap3A_348 : vector<16xi32> to vector<16xi32>
    %swap3A_350 = vector.shape_cast %add3A_346 : vector<16xi32> to vector<16xi32>
    tpu.vector_store %arg5[%swap3A_347], %swap3A_350 {strides = array<i32>} : memref<13312xi32, #tpu.memory_space<vmem>>, vector<16xi32>,
    %iota3A_351 = tpu.iota {dimensions = array<i32: 0>} : vector<16xi32>
    %add3A_352 = arith.constant 288 : i32
    %add3A_353 = vector.broadcast %add3A_352 : i32 to vector<16xi32>
    %add3A_354 = arith.addi %add3A_353, %iota3A_351 : vector<16xi32>
    %rem3A_355 = arith.constant 26 : i32
    %rem3A_356 = vector.broadcast %rem3A_355 : i32 to vector<16xi32>
    %rem3A_357 = arith.remsi %add3A_354, %rem3A_356 : vector<16xi32>
    %mul3A_358 = arith.constant 3847 : i32
    %mul3A_359 = vector.broadcast %mul3A_358 : i32 to vector<16xi32>
    %mul3A_360 = arith.muli %rem3A_357, %mul3A_359 : vector<16xi32>
    %get3A_361 = arith.constant 288 : index
    %get3A_362 = tpu.vector_load %arg5[%get3A_361] {strides = array<i32>} : memref<13312xi32, #tpu.memory_space<vmem>>, vector<16xi32>,
    %get3A_363 = vector.shape_cast %get3A_362 : vector<16xi32> to vector<16xi32>
    %add3A_364 = arith.addi %get3A_363, %mul3A_360 : vector<16xi32>
    %swap3A_365 = arith.constant 288 : index
    %swap3A_366 = tpu.vector_load %arg5[%swap3A_365] {strides = array<i32>} : memref<13312xi32, #tpu.memory_space<vmem>>, vector<16xi32>,
    %swap3A_367 = vector.shape_cast %swap3A_366 : vector<16xi32> to vector<16xi32>
    %swap3A_368 = vector.shape_cast %add3A_364 : vector<16xi32> to vector<16xi32>
    tpu.vector_store %arg5[%swap3A_365], %swap3A_368 {strides = array<i32>} : memref<13312xi32, #tpu.memory_space<vmem>>, vector<16xi32>,
    %iota3A_369 = tpu.iota {dimensions = array<i32: 0>} : vector<16xi32>
    %add3A_370 = arith.constant 304 : i32
    %add3A_371 = vector.broadcast %add3A_370 : i32 to vector<16xi32>
    %add3A_372 = arith.addi %add3A_371, %iota3A_369 : vector<16xi32>
    %rem3A_373 = arith.constant 26 : i32
    %rem3A_374 = vector.broadcast %rem3A_373 : i32 to vector<16xi32>
    %rem3A_375 = arith.remsi %add3A_372, %rem3A_374 : vector<16xi32>
    %mul3A_376 = arith.constant 3847 : i32
    %mul3A_377 = vector.broadcast %mul3A_376 : i32 to vector<16xi32>
    %mul3A_378 = arith.muli %rem3A_375, %mul3A_377 : vector<16xi32>
    %get3A_379 = arith.constant 304 : index
    %get3A_380 = tpu.vector_load %arg5[%get3A_379] {strides = array<i32>} : memref<13312xi32, #tpu.memory_space<vmem>>, vector<16xi32>,
    %get3A_381 = vector.shape_cast %get3A_380 : vector<16xi32> to vector<16xi32>
    %add3A_382 = arith.addi %get3A_381, %mul3A_378 : vector<16xi32>
    %swap3A_383 = arith.constant 304 : index
    %swap3A_384 = tpu.vector_load %arg5[%swap3A_383] {strides = array<i32>} : memref<13312xi32, #tpu.memory_space<vmem>>, vector<16xi32>,
    %swap3A_385 = vector.shape_cast %swap3A_384 : vector<16xi32> to vector<16xi32>
    %swap3A_386 = vector.shape_cast %add3A_382 : vector<16xi32> to vector<16xi32>
    tpu.vector_store %arg5[%swap3A_383], %swap3A_386 {strides = array<i32>} : memref<13312xi32, #tpu.memory_space<vmem>>, vector<16xi32>,
    %iota3A_387 = tpu.iota {dimensions = array<i32: 0>} : vector<16xi32>
    %add3A_388 = arith.constant 320 : i32
    %add3A_389 = vector.broadcast %add3A_388 : i32 to vector<16xi32>
    %add3A_390 = arith.addi %add3A_389, %iota3A_387 : vector<16xi32>
    %rem3A_391 = arith.constant 26 : i32
    %rem3A_392 = vector.broadcast %rem3A_391 : i32 to vector<16xi32>
    %rem3A_393 = arith.remsi %add3A_390, %rem3A_392 : vector<16xi32>
    %mul3A_394 = arith.constant 3847 : i32
    %mul3A_395 = vector.broadcast %mul3A_394 : i32 to vector<16xi32>
    %mul3A_396 = arith.muli %rem3A_393, %mul3A_395 : vector<16xi32>
    %get3A_397 = arith.constant 320 : index
    %get3A_398 = tpu.vector_load %arg5[%get3A_397] {strides = array<i32>} : memref<13312xi32, #tpu.memory_space<vmem>>, vector<16xi32>,
    %get3A_399 = vector.shape_cast %get3A_398 : vector<16xi32> to vector<16xi32>
    %add3A_400 = arith.addi %get3A_399, %mul3A_396 : vector<16xi32>
    %swap3A_401 = arith.constant 320 : index
    %swap3A_402 = tpu.vector_load %arg5[%swap3A_401] {strides = array<i32>} : memref<13312xi32, #tpu.memory_space<vmem>>, vector<16xi32>,
    %swap3A_403 = vector.shape_cast %swap3A_402 : vector<16xi32> to vector<16xi32>
    %swap3A_404 = vector.shape_cast %add3A_400 : vector<16xi32> to vector<16xi32>
    tpu.vector_store %arg5[%swap3A_401], %swap3A_404 {strides = array<i32>} : memref<13312xi32, #tpu.memory_space<vmem>>, vector<16xi32>,
    %iota3A_405 = tpu.iota {dimensions = array<i32: 0>} : vector<16xi32>
    %add3A_406 = arith.constant 336 : i32
    %add3A_407 = vector.broadcast %add3A_406 : i32 to vector<16xi32>
    %add3A_408 = arith.addi %add3A_407, %iota3A_405 : vector<16xi32>
    %rem3A_409 = arith.constant 26 : i32
    %rem3A_410 = vector.broadcast %rem3A_409 : i32 to vector<16xi32>
    %rem3A_411 = arith.remsi %add3A_408, %rem3A_410 : vector<16xi32>
    %mul3A_412 = arith.constant 3847 : i32
    %mul3A_413 = vector.broadcast %mul3A_412 : i32 to vector<16xi32>
    %mul3A_414 = arith.muli %rem3A_411, %mul3A_413 : vector<16xi32>
    %get3A_415 = arith.constant 336 : index
    %get3A_416 = tpu.vector_load %arg5[%get3A_415] {strides = array<i32>} : memref<13312xi32, #tpu.memory_space<vmem>>, vector<16xi32>,
    %get3A_417 = vector.shape_cast %get3A_416 : vector<16xi32> to vector<16xi32>
    %add3A_418 = arith.addi %get3A_417, %mul3A_414 : vector<16xi32>
    %swap3A_419 = arith.constant 336 : index
    %swap3A_420 = tpu.vector_load %arg5[%swap3A_419] {strides = array<i32>} : memref<13312xi32, #tpu.memory_space<vmem>>, vector<16xi32>,
    %swap3A_421 = vector.shape_cast %swap3A_420 : vector<16xi32> to vector<16xi32>
    %swap3A_422 = vector.shape_cast %add3A_418 : vector<16xi32> to vector<16xi32>
    tpu.vector_store %arg5[%swap3A_419], %swap3A_422 {strides = array<i32>} : memref<13312xi32, #tpu.memory_space<vmem>>, vector<16xi32>,
    %iota3A_423 = tpu.iota {dimensions = array<i32: 0>} : vector<16xi32>
    %add3A_424 = arith.constant 352 : i32
    %add3A_425 = vector.broadcast %add3A_424 : i32 to vector<16xi32>
    %add3A_426 = arith.addi %add3A_425, %iota3A_423 : vector<16xi32>
    %rem3A_427 = arith.constant 26 : i32
    %rem3A_428 = vector.broadcast %rem3A_427 : i32 to vector<16xi32>
    %rem3A_429 = arith.remsi %add3A_426, %rem3A_428 : vector<16xi32>
    %mul3A_430 = arith.constant 3847 : i32
    %mul3A_431 = vector.broadcast %mul3A_430 : i32 to vector<16xi32>
    %mul3A_432 = arith.muli %rem3A_429, %mul3A_431 : vector<16xi32>
    %get3A_433 = arith.constant 352 : index
    %get3A_434 = tpu.vector_load %arg5[%get3A_433] {strides = array<i32>} : memref<13312xi32, #tpu.memory_space<vmem>>, vector<16xi32>,
    %get3A_435 = vector.shape_cast %get3A_434 : vector<16xi32> to vector<16xi32>
    %add3A_436 = arith.addi %get3A_435, %mul3A_432 : vector<16xi32>
    %swap3A_437 = arith.constant 352 : index
    %swap3A_438 = tpu.vector_load %arg5[%swap3A_437] {strides = array<i32>} : memref<13312xi32, #tpu.memory_space<vmem>>, vector<16xi32>,
    %swap3A_439 = vector.shape_cast %swap3A_438 : vector<16xi32> to vector<16xi32>
    %swap3A_440 = vector.shape_cast %add3A_436 : vector<16xi32> to vector<16xi32>
    tpu.vector_store %arg5[%swap3A_437], %swap3A_440 {strides = array<i32>} : memref<13312xi32, #tpu.memory_space<vmem>>, vector<16xi32>,
    %iota3A_441 = tpu.iota {dimensions = array<i32: 0>} : vector<16xi32>
    %add3A_442 = arith.constant 368 : i32
    %add3A_443 = vector.broadcast %add3A_442 : i32 to vector<16xi32>
    %add3A_444 = arith.addi %add3A_443, %iota3A_441 : vector<16xi32>
    %rem3A_445 = arith.constant 26 : i32
    %rem3A_446 = vector.broadcast %rem3A_445 : i32 to vector<16xi32>
    %rem3A_447 = arith.remsi %add3A_444, %rem3A_446 : vector<16xi32>
    %mul3A_448 = arith.constant 3847 : i32
    %mul3A_449 = vector.broadcast %mul3A_448 : i32 to vector<16xi32>
    %mul3A_450 = arith.muli %rem3A_447, %mul3A_449 : vector<16xi32>
    %get3A_451 = arith.constant 368 : index
    %get3A_452 = tpu.vector_load %arg5[%get3A_451] {strides = array<i32>} : memref<13312xi32, #tpu.memory_space<vmem>>, vector<16xi32>,
    %get3A_453 = vector.shape_cast %get3A_452 : vector<16xi32> to vector<16xi32>
    %add3A_454 = arith.addi %get3A_453, %mul3A_450 : vector<16xi32>
    %swap3A_455 = arith.constant 368 : index
    %swap3A_456 = tpu.vector_load %arg5[%swap3A_455] {strides = array<i32>} : memref<13312xi32, #tpu.memory_space<vmem>>, vector<16xi32>,
    %swap3A_457 = vector.shape_cast %swap3A_456 : vector<16xi32> to vector<16xi32>
    %swap3A_458 = vector.shape_cast %add3A_454 : vector<16xi32> to vector<16xi32>
    tpu.vector_store %arg5[%swap3A_455], %swap3A_458 {strides = array<i32>} : memref<13312xi32, #tpu.memory_space<vmem>>, vector<16xi32>,
    %iota3A_459 = tpu.iota {dimensions = array<i32: 0>} : vector<16xi32>
    %add3A_460 = arith.constant 384 : i32
    %add3A_461 = vector.broadcast %add3A_460 : i32 to vector<16xi32>
    %add3A_462 = arith.addi %add3A_461, %iota3A_459 : vector<16xi32>
    %rem3A_463 = arith.constant 26 : i32
    %rem3A_464 = vector.broadcast %rem3A_463 : i32 to vector<16xi32>
    %rem3A_465 = arith.remsi %add3A_462, %rem3A_464 : vector<16xi32>
    %mul3A_466 = arith.constant 3847 : i32
    %mul3A_467 = vector.broadcast %mul3A_466 : i32 to vector<16xi32>
    %mul3A_468 = arith.muli %rem3A_465, %mul3A_467 : vector<16xi32>
    %get3A_469 = arith.constant 384 : index
    %get3A_470 = tpu.vector_load %arg5[%get3A_469] {strides = array<i32>} : memref<13312xi32, #tpu.memory_space<vmem>>, vector<16xi32>,
    %get3A_471 = vector.shape_cast %get3A_470 : vector<16xi32> to vector<16xi32>
    %add3A_472 = arith.addi %get3A_471, %mul3A_468 : vector<16xi32>
    %swap3A_473 = arith.constant 384 : index
    %swap3A_474 = tpu.vector_load %arg5[%swap3A_473] {strides = array<i32>} : memref<13312xi32, #tpu.memory_space<vmem>>, vector<16xi32>,
    %swap3A_475 = vector.shape_cast %swap3A_474 : vector<16xi32> to vector<16xi32>
    %swap3A_476 = vector.shape_cast %add3A_472 : vector<16xi32> to vector<16xi32>
    tpu.vector_store %arg5[%swap3A_473], %swap3A_476 {strides = array<i32>} : memref<13312xi32, #tpu.memory_space<vmem>>, vector<16xi32>,
    %iota3A_477 = tpu.iota {dimensions = array<i32: 0>} : vector<16xi32>
    %add3A_478 = arith.constant 400 : i32
    %add3A_479 = vector.broadcast %add3A_478 : i32 to vector<16xi32>
    %add3A_480 = arith.addi %add3A_479, %iota3A_477 : vector<16xi32>
    %rem3A_481 = arith.constant 26 : i32
    %rem3A_482 = vector.broadcast %rem3A_481 : i32 to vector<16xi32>
    %rem3A_483 = arith.remsi %add3A_480, %rem3A_482 : vector<16xi32>
    %mul3A_484 = arith.constant 3847 : i32
    %mul3A_485 = vector.broadcast %mul3A_484 : i32 to vector<16xi32>
    %mul3A_486 = arith.muli %rem3A_483, %mul3A_485 : vector<16xi32>
    %get3A_487 = arith.constant 400 : index
    %get3A_488 = tpu.vector_load %arg5[%get3A_487] {strides = array<i32>} : memref<13312xi32, #tpu.memory_space<vmem>>, vector<16xi32>,
    %get3A_489 = vector.shape_cast %get3A_488 : vector<16xi32> to vector<16xi32>
    %add3A_490 = arith.addi %get3A_489, %mul3A_486 : vector<16xi32>
    %swap3A_491 = arith.constant 400 : index
    %swap3A_492 = tpu.vector_load %arg5[%swap3A_491] {strides = array<i32>} : memref<13312xi32, #tpu.memory_space<vmem>>, vector<16xi32>,
    %swap3A_493 = vector.shape_cast %swap3A_492 : vector<16xi32> to vector<16xi32>
    %swap3A_494 = vector.shape_cast %add3A_490 : vector<16xi32> to vector<16xi32>
    tpu.vector_store %arg5[%swap3A_491], %swap3A_494 {strides = array<i32>} : memref<13312xi32, #tpu.memory_space<vmem>>, vector<16xi32>,
    %rem3A_495 = arith.constant 1 : i32
    %rem3A_496 = arith.constant 4 : i32
    %rem3A_497 = arith.remsi %rem3A_495, %rem3A_496 : i32
    %mul3A_498 = arith.constant 2 : i32
    %mul3A_499 = arith.muli %rem3A_497, %mul3A_498 : i32
    %add3A_500 = arith.constant 0 : i32
    %add3A_501 = arith.addi %mul3A_499, %add3A_500 : i32
    %dma_start3A_502 = arith.constant 0 : i32
    %dma_start3A_503 = arith.constant 0 : i32
    %dma_start3A_504 = tpu.memref_slice %arg6[%add3A_501, %dma_start3A_502, %dma_start3A_503] : memref<8x104x128xf32, #tpu.memory_space<vmem>> -> memref<1x104x128xf32, #tpu.memory_space<vmem>>
    %dma_start3A_505 = tpu.memref_squeeze %dma_start3A_504 : memref<1x104x128xf32, #tpu.memory_space<vmem>> -> memref<104x128xf32, #tpu.memory_space<vmem>>
    %dma_start3A_506 = arith.constant 208 : i32
    %dma_start3A_507 = tpu.memref_slice %arg5[%dma_start3A_506] : memref<13312xi32, #tpu.memory_space<vmem>> -> memref<104xi32, #tpu.memory_space<vmem>>
    %dma_start3A_508 = arith.constant 0 : i32
    %dma_start3A_509 = arith.constant 0 : i32
    %dma_start3A_510 = tpu.memref_slice %arg3[%dma_start3A_508, %dma_start3A_509] : memref<100022x128xf32, #tpu.memory_space<hbm>> -> memref<100022x128xf32, #tpu.memory_space<hbm>>
    tpu.enqueue_indirect_dma source(%dma_start3A_510 : memref<100022x128xf32, #tpu.memory_space<hbm>>) target(%dma_start3A_505 : memref<104x128xf32, #tpu.memory_space<vmem>>) offsets(%dma_start3A_507 : memref<104xi32, #tpu.memory_space<vmem>>) semaphore(%arg7 : memref<!tpu.dma_semaphore, #tpu.memory_space<semaphore_mem>>)
    %mul3A_511 = arith.constant 2 : i32
    %mul3A_512 = arith.muli %rem3A_497, %mul3A_511 : i32
    %add3A_513 = arith.constant 1 : i32
    %add3A_514 = arith.addi %mul3A_512, %add3A_513 : i32
    %dma_start3A_515 = arith.constant 0 : i32
    %dma_start3A_516 = arith.constant 0 : i32
    %dma_start3A_517 = tpu.memref_slice %arg6[%add3A_514, %dma_start3A_515, %dma_start3A_516] : memref<8x104x128xf32, #tpu.memory_space<vmem>> -> memref<1x104x128xf32, #tpu.memory_space<vmem>>
    %dma_start3A_518 = tpu.memref_squeeze %dma_start3A_517 : memref<1x104x128xf32, #tpu.memory_space<vmem>> -> memref<104x128xf32, #tpu.memory_space<vmem>>
    %dma_start3A_519 = arith.constant 312 : i32
    %dma_start3A_520 = tpu.memref_slice %arg5[%dma_start3A_519] : memref<13312xi32, #tpu.memory_space<vmem>> -> memref<104xi32, #tpu.memory_space<vmem>>
    %dma_start3A_521 = arith.constant 0 : i32
    %dma_start3A_522 = arith.constant 0 : i32
    %dma_start3A_523 = tpu.memref_slice %arg3[%dma_start3A_521, %dma_start3A_522] : memref<100022x128xf32, #tpu.memory_space<hbm>> -> memref<100022x128xf32, #tpu.memory_space<hbm>>
    tpu.enqueue_indirect_dma source(%dma_start3A_523 : memref<100022x128xf32, #tpu.memory_space<hbm>>) target(%dma_start3A_518 : memref<104x128xf32, #tpu.memory_space<vmem>>) offsets(%dma_start3A_520 : memref<104xi32, #tpu.memory_space<vmem>>) semaphore(%arg7 : memref<!tpu.dma_semaphore, #tpu.memory_space<semaphore_mem>>)
    %scan3A = arith.constant 0 : i32
    %scan3A_524 = arith.constant 0 : i32
    %scan3A_525 = arith.constant 64 : i32
    %scan3A_526 = arith.addi %scan3A_524, %scan3A_525 : i32
    %scan3A_527 = arith.constant 1 : i32
    %scan3A_528 = scf.for %scan3A_607 = %scan3A_524 to %scan3A_526 step %scan3A_527 iter_args(%scan3A_608 = %scan3A) -> (i32)  : i32 {
      %add3A_609 = arith.constant 2 : i32
      %add3A_610 = arith.addi %scan3A_607, %add3A_609 : i32
      %lt3A = arith.constant 64 : i32
      %lt3A_611 = arith.cmpi slt, %add3A_610, %lt3A : i32
      %convert_element_type3A = arith.extui %lt3A_611 : i1 to i32
      %cond3A = arith.constant 0 : i32
      %cond3A_612 = arith.cmpi ne, %convert_element_type3A, %cond3A : i32
      scf.if %cond3A_612 {
        %add3A_711 = arith.constant 2 : i32
        %add3A_712 = arith.addi %scan3A_607, %add3A_711 : i32
        %mul3A_713 = arith.constant 208 : i32
        %mul3A_714 = arith.muli %add3A_712, %mul3A_713 : i32
        %add3A_715 = arith.constant 0 : i32
        %add3A_716 = arith.addi %mul3A_714, %add3A_715 : i32
        %iota3A_717 = tpu.iota {dimensions = array<i32: 0>} : vector<16xi32>
        %add3A_718 = vector.broadcast %add3A_716 : i32 to vector<16xi32>
        %add3A_719 = arith.addi %add3A_718, %iota3A_717 : vector<16xi32>
        %rem3A_720 = arith.constant 26 : i32
        %rem3A_721 = vector.broadcast %rem3A_720 : i32 to vector<16xi32>
        %rem3A_722 = arith.remsi %add3A_719, %rem3A_721 : vector<16xi32>
        %mul3A_723 = arith.constant 3847 : i32
        %mul3A_724 = vector.broadcast %mul3A_723 : i32 to vector<16xi32>
        %mul3A_725 = arith.muli %rem3A_722, %mul3A_724 : vector<16xi32>
        %mul3A_726 = arith.constant 208 : i32
        %mul3A_727 = arith.muli %add3A_712, %mul3A_726 : i32
        %add3A_728 = arith.constant 0 : i32
        %add3A_729 = arith.addi %mul3A_727, %add3A_728 : i32
        %get3A_730 = arith.index_cast %add3A_729 : i32 to index
        %get3A_731 = tpu.vector_load %arg5[%get3A_730] {strides = array<i32>} : memref<13312xi32, #tpu.memory_space<vmem>>, vector<16xi32>,
        %get3A_732 = vector.shape_cast %get3A_731 : vector<16xi32> to vector<16xi32>
        %add3A_733 = arith.addi %get3A_732, %mul3A_725 : vector<16xi32>
        %swap3A_734 = arith.index_cast %add3A_729 : i32 to index
        %swap3A_735 = tpu.vector_load %arg5[%swap3A_734] {strides = array<i32>} : memref<13312xi32, #tpu.memory_space<vmem>>, vector<16xi32>,
        %swap3A_736 = vector.shape_cast %swap3A_735 : vector<16xi32> to vector<16xi32>
        %swap3A_737 = vector.shape_cast %add3A_733 : vector<16xi32> to vector<16xi32>
        tpu.vector_store %arg5[%swap3A_734], %swap3A_737 {strides = array<i32>} : memref<13312xi32, #tpu.memory_space<vmem>>, vector<16xi32>,
        %mul3A_738 = arith.constant 208 : i32
        %mul3A_739 = arith.muli %add3A_712, %mul3A_738 : i32
        %add3A_740 = arith.constant 16 : i32
        %add3A_741 = arith.addi %mul3A_739, %add3A_740 : i32
        %iota3A_742 = tpu.iota {dimensions = array<i32: 0>} : vector<16xi32>
        %add3A_743 = vector.broadcast %add3A_741 : i32 to vector<16xi32>
        %add3A_744 = arith.addi %add3A_743, %iota3A_742 : vector<16xi32>
        %rem3A_745 = arith.constant 26 : i32
        %rem3A_746 = vector.broadcast %rem3A_745 : i32 to vector<16xi32>
        %rem3A_747 = arith.remsi %add3A_744, %rem3A_746 : vector<16xi32>
        %mul3A_748 = arith.constant 3847 : i32
        %mul3A_749 = vector.broadcast %mul3A_748 : i32 to vector<16xi32>
        %mul3A_750 = arith.muli %rem3A_747, %mul3A_749 : vector<16xi32>
        %mul3A_751 = arith.constant 208 : i32
        %mul3A_752 = arith.muli %add3A_712, %mul3A_751 : i32
        %add3A_753 = arith.constant 16 : i32
        %add3A_754 = arith.addi %mul3A_752, %add3A_753 : i32
        %get3A_755 = arith.index_cast %add3A_754 : i32 to index
        %get3A_756 = tpu.vector_load %arg5[%get3A_755] {strides = array<i32>} : memref<13312xi32, #tpu.memory_space<vmem>>, vector<16xi32>,
        %get3A_757 = vector.shape_cast %get3A_756 : vector<16xi32> to vector<16xi32>
        %add3A_758 = arith.addi %get3A_757, %mul3A_750 : vector<16xi32>
        %swap3A_759 = arith.index_cast %add3A_754 : i32 to index
        %swap3A_760 = tpu.vector_load %arg5[%swap3A_759] {strides = array<i32>} : memref<13312xi32, #tpu.memory_space<vmem>>, vector<16xi32>,
        %swap3A_761 = vector.shape_cast %swap3A_760 : vector<16xi32> to vector<16xi32>
        %swap3A_762 = vector.shape_cast %add3A_758 : vector<16xi32> to vector<16xi32>
        tpu.vector_store %arg5[%swap3A_759], %swap3A_762 {strides = array<i32>} : memref<13312xi32, #tpu.memory_space<vmem>>, vector<16xi32>,
        %mul3A_763 = arith.constant 208 : i32
        %mul3A_764 = arith.muli %add3A_712, %mul3A_763 : i32
        %add3A_765 = arith.constant 32 : i32
        %add3A_766 = arith.addi %mul3A_764, %add3A_765 : i32
        %iota3A_767 = tpu.iota {dimensions = array<i32: 0>} : vector<16xi32>
        %add3A_768 = vector.broadcast %add3A_766 : i32 to vector<16xi32>
        %add3A_769 = arith.addi %add3A_768, %iota3A_767 : vector<16xi32>
        %rem3A_770 = arith.constant 26 : i32
        %rem3A_771 = vector.broadcast %rem3A_770 : i32 to vector<16xi32>
        %rem3A_772 = arith.remsi %add3A_769, %rem3A_771 : vector<16xi32>
        %mul3A_773 = arith.constant 3847 : i32
        %mul3A_774 = vector.broadcast %mul3A_773 : i32 to vector<16xi32>
        %mul3A_775 = arith.muli %rem3A_772, %mul3A_774 : vector<16xi32>
        %mul3A_776 = arith.constant 208 : i32
        %mul3A_777 = arith.muli %add3A_712, %mul3A_776 : i32
        %add3A_778 = arith.constant 32 : i32
        %add3A_779 = arith.addi %mul3A_777, %add3A_778 : i32
        %get3A_780 = arith.index_cast %add3A_779 : i32 to index
        %get3A_781 = tpu.vector_load %arg5[%get3A_780] {strides = array<i32>} : memref<13312xi32, #tpu.memory_space<vmem>>, vector<16xi32>,
        %get3A_782 = vector.shape_cast %get3A_781 : vector<16xi32> to vector<16xi32>
        %add3A_783 = arith.addi %get3A_782, %mul3A_775 : vector<16xi32>
        %swap3A_784 = arith.index_cast %add3A_779 : i32 to index
        %swap3A_785 = tpu.vector_load %arg5[%swap3A_784] {strides = array<i32>} : memref<13312xi32, #tpu.memory_space<vmem>>, vector<16xi32>,
        %swap3A_786 = vector.shape_cast %swap3A_785 : vector<16xi32> to vector<16xi32>
        %swap3A_787 = vector.shape_cast %add3A_783 : vector<16xi32> to vector<16xi32>
        tpu.vector_store %arg5[%swap3A_784], %swap3A_787 {strides = array<i32>} : memref<13312xi32, #tpu.memory_space<vmem>>, vector<16xi32>,
        %mul3A_788 = arith.constant 208 : i32
        %mul3A_789 = arith.muli %add3A_712, %mul3A_788 : i32
        %add3A_790 = arith.constant 48 : i32
        %add3A_791 = arith.addi %mul3A_789, %add3A_790 : i32
        %iota3A_792 = tpu.iota {dimensions = array<i32: 0>} : vector<16xi32>
        %add3A_793 = vector.broadcast %add3A_791 : i32 to vector<16xi32>
        %add3A_794 = arith.addi %add3A_793, %iota3A_792 : vector<16xi32>
        %rem3A_795 = arith.constant 26 : i32
        %rem3A_796 = vector.broadcast %rem3A_795 : i32 to vector<16xi32>
        %rem3A_797 = arith.remsi %add3A_794, %rem3A_796 : vector<16xi32>
        %mul3A_798 = arith.constant 3847 : i32
        %mul3A_799 = vector.broadcast %mul3A_798 : i32 to vector<16xi32>
        %mul3A_800 = arith.muli %rem3A_797, %mul3A_799 : vector<16xi32>
        %mul3A_801 = arith.constant 208 : i32
        %mul3A_802 = arith.muli %add3A_712, %mul3A_801 : i32
        %add3A_803 = arith.constant 48 : i32
        %add3A_804 = arith.addi %mul3A_802, %add3A_803 : i32
        %get3A_805 = arith.index_cast %add3A_804 : i32 to index
        %get3A_806 = tpu.vector_load %arg5[%get3A_805] {strides = array<i32>} : memref<13312xi32, #tpu.memory_space<vmem>>, vector<16xi32>,
        %get3A_807 = vector.shape_cast %get3A_806 : vector<16xi32> to vector<16xi32>
        %add3A_808 = arith.addi %get3A_807, %mul3A_800 : vector<16xi32>
        %swap3A_809 = arith.index_cast %add3A_804 : i32 to index
        %swap3A_810 = tpu.vector_load %arg5[%swap3A_809] {strides = array<i32>} : memref<13312xi32, #tpu.memory_space<vmem>>, vector<16xi32>,
        %swap3A_811 = vector.shape_cast %swap3A_810 : vector<16xi32> to vector<16xi32>
        %swap3A_812 = vector.shape_cast %add3A_808 : vector<16xi32> to vector<16xi32>
        tpu.vector_store %arg5[%swap3A_809], %swap3A_812 {strides = array<i32>} : memref<13312xi32, #tpu.memory_space<vmem>>, vector<16xi32>,
        %mul3A_813 = arith.constant 208 : i32
        %mul3A_814 = arith.muli %add3A_712, %mul3A_813 : i32
        %add3A_815 = arith.constant 64 : i32
        %add3A_816 = arith.addi %mul3A_814, %add3A_815 : i32
        %iota3A_817 = tpu.iota {dimensions = array<i32: 0>} : vector<16xi32>
        %add3A_818 = vector.broadcast %add3A_816 : i32 to vector<16xi32>
        %add3A_819 = arith.addi %add3A_818, %iota3A_817 : vector<16xi32>
        %rem3A_820 = arith.constant 26 : i32
        %rem3A_821 = vector.broadcast %rem3A_820 : i32 to vector<16xi32>
        %rem3A_822 = arith.remsi %add3A_819, %rem3A_821 : vector<16xi32>
        %mul3A_823 = arith.constant 3847 : i32
        %mul3A_824 = vector.broadcast %mul3A_823 : i32 to vector<16xi32>
        %mul3A_825 = arith.muli %rem3A_822, %mul3A_824 : vector<16xi32>
        %mul3A_826 = arith.constant 208 : i32
        %mul3A_827 = arith.muli %add3A_712, %mul3A_826 : i32
        %add3A_828 = arith.constant 64 : i32
        %add3A_829 = arith.addi %mul3A_827, %add3A_828 : i32
        %get3A_830 = arith.index_cast %add3A_829 : i32 to index
        %get3A_831 = tpu.vector_load %arg5[%get3A_830] {strides = array<i32>} : memref<13312xi32, #tpu.memory_space<vmem>>, vector<16xi32>,
        %get3A_832 = vector.shape_cast %get3A_831 : vector<16xi32> to vector<16xi32>
        %add3A_833 = arith.addi %get3A_832, %mul3A_825 : vector<16xi32>
        %swap3A_834 = arith.index_cast %add3A_829 : i32 to index
        %swap3A_835 = tpu.vector_load %arg5[%swap3A_834] {strides = array<i32>} : memref<13312xi32, #tpu.memory_space<vmem>>, vector<16xi32>,
        %swap3A_836 = vector.shape_cast %swap3A_835 : vector<16xi32> to vector<16xi32>
        %swap3A_837 = vector.shape_cast %add3A_833 : vector<16xi32> to vector<16xi32>
        tpu.vector_store %arg5[%swap3A_834], %swap3A_837 {strides = array<i32>} : memref<13312xi32, #tpu.memory_space<vmem>>, vector<16xi32>,
        %mul3A_838 = arith.constant 208 : i32
        %mul3A_839 = arith.muli %add3A_712, %mul3A_838 : i32
        %add3A_840 = arith.constant 80 : i32
        %add3A_841 = arith.addi %mul3A_839, %add3A_840 : i32
        %iota3A_842 = tpu.iota {dimensions = array<i32: 0>} : vector<16xi32>
        %add3A_843 = vector.broadcast %add3A_841 : i32 to vector<16xi32>
        %add3A_844 = arith.addi %add3A_843, %iota3A_842 : vector<16xi32>
        %rem3A_845 = arith.constant 26 : i32
        %rem3A_846 = vector.broadcast %rem3A_845 : i32 to vector<16xi32>
        %rem3A_847 = arith.remsi %add3A_844, %rem3A_846 : vector<16xi32>
        %mul3A_848 = arith.constant 3847 : i32
        %mul3A_849 = vector.broadcast %mul3A_848 : i32 to vector<16xi32>
        %mul3A_850 = arith.muli %rem3A_847, %mul3A_849 : vector<16xi32>
        %mul3A_851 = arith.constant 208 : i32
        %mul3A_852 = arith.muli %add3A_712, %mul3A_851 : i32
        %add3A_853 = arith.constant 80 : i32
        %add3A_854 = arith.addi %mul3A_852, %add3A_853 : i32
        %get3A_855 = arith.index_cast %add3A_854 : i32 to index
        %get3A_856 = tpu.vector_load %arg5[%get3A_855] {strides = array<i32>} : memref<13312xi32, #tpu.memory_space<vmem>>, vector<16xi32>,
        %get3A_857 = vector.shape_cast %get3A_856 : vector<16xi32> to vector<16xi32>
        %add3A_858 = arith.addi %get3A_857, %mul3A_850 : vector<16xi32>
        %swap3A_859 = arith.index_cast %add3A_854 : i32 to index
        %swap3A_860 = tpu.vector_load %arg5[%swap3A_859] {strides = array<i32>} : memref<13312xi32, #tpu.memory_space<vmem>>, vector<16xi32>,
        %swap3A_861 = vector.shape_cast %swap3A_860 : vector<16xi32> to vector<16xi32>
        %swap3A_862 = vector.shape_cast %add3A_858 : vector<16xi32> to vector<16xi32>
        tpu.vector_store %arg5[%swap3A_859], %swap3A_862 {strides = array<i32>} : memref<13312xi32, #tpu.memory_space<vmem>>, vector<16xi32>,
        %mul3A_863 = arith.constant 208 : i32
        %mul3A_864 = arith.muli %add3A_712, %mul3A_863 : i32
        %add3A_865 = arith.constant 96 : i32
        %add3A_866 = arith.addi %mul3A_864, %add3A_865 : i32
        %iota3A_867 = tpu.iota {dimensions = array<i32: 0>} : vector<16xi32>
        %add3A_868 = vector.broadcast %add3A_866 : i32 to vector<16xi32>
        %add3A_869 = arith.addi %add3A_868, %iota3A_867 : vector<16xi32>
        %rem3A_870 = arith.constant 26 : i32
        %rem3A_871 = vector.broadcast %rem3A_870 : i32 to vector<16xi32>
        %rem3A_872 = arith.remsi %add3A_869, %rem3A_871 : vector<16xi32>
        %mul3A_873 = arith.constant 3847 : i32
        %mul3A_874 = vector.broadcast %mul3A_873 : i32 to vector<16xi32>
        %mul3A_875 = arith.muli %rem3A_872, %mul3A_874 : vector<16xi32>
        %mul3A_876 = arith.constant 208 : i32
        %mul3A_877 = arith.muli %add3A_712, %mul3A_876 : i32
        %add3A_878 = arith.constant 96 : i32
        %add3A_879 = arith.addi %mul3A_877, %add3A_878 : i32
        %get3A_880 = arith.index_cast %add3A_879 : i32 to index
        %get3A_881 = tpu.vector_load %arg5[%get3A_880] {strides = array<i32>} : memref<13312xi32, #tpu.memory_space<vmem>>, vector<16xi32>,
        %get3A_882 = vector.shape_cast %get3A_881 : vector<16xi32> to vector<16xi32>
        %add3A_883 = arith.addi %get3A_882, %mul3A_875 : vector<16xi32>
        %swap3A_884 = arith.index_cast %add3A_879 : i32 to index
        %swap3A_885 = tpu.vector_load %arg5[%swap3A_884] {strides = array<i32>} : memref<13312xi32, #tpu.memory_space<vmem>>, vector<16xi32>,
        %swap3A_886 = vector.shape_cast %swap3A_885 : vector<16xi32> to vector<16xi32>
        %swap3A_887 = vector.shape_cast %add3A_883 : vector<16xi32> to vector<16xi32>
        tpu.vector_store %arg5[%swap3A_884], %swap3A_887 {strides = array<i32>} : memref<13312xi32, #tpu.memory_space<vmem>>, vector<16xi32>,
        %mul3A_888 = arith.constant 208 : i32
        %mul3A_889 = arith.muli %add3A_712, %mul3A_888 : i32
        %add3A_890 = arith.constant 112 : i32
        %add3A_891 = arith.addi %mul3A_889, %add3A_890 : i32
        %iota3A_892 = tpu.iota {dimensions = array<i32: 0>} : vector<16xi32>
        %add3A_893 = vector.broadcast %add3A_891 : i32 to vector<16xi32>
        %add3A_894 = arith.addi %add3A_893, %iota3A_892 : vector<16xi32>
        %rem3A_895 = arith.constant 26 : i32
        %rem3A_896 = vector.broadcast %rem3A_895 : i32 to vector<16xi32>
        %rem3A_897 = arith.remsi %add3A_894, %rem3A_896 : vector<16xi32>
        %mul3A_898 = arith.constant 3847 : i32
        %mul3A_899 = vector.broadcast %mul3A_898 : i32 to vector<16xi32>
        %mul3A_900 = arith.muli %rem3A_897, %mul3A_899 : vector<16xi32>
        %mul3A_901 = arith.constant 208 : i32
        %mul3A_902 = arith.muli %add3A_712, %mul3A_901 : i32
        %add3A_903 = arith.constant 112 : i32
        %add3A_904 = arith.addi %mul3A_902, %add3A_903 : i32
        %get3A_905 = arith.index_cast %add3A_904 : i32 to index
        %get3A_906 = tpu.vector_load %arg5[%get3A_905] {strides = array<i32>} : memref<13312xi32, #tpu.memory_space<vmem>>, vector<16xi32>,
        %get3A_907 = vector.shape_cast %get3A_906 : vector<16xi32> to vector<16xi32>
        %add3A_908 = arith.addi %get3A_907, %mul3A_900 : vector<16xi32>
        %swap3A_909 = arith.index_cast %add3A_904 : i32 to index
        %swap3A_910 = tpu.vector_load %arg5[%swap3A_909] {strides = array<i32>} : memref<13312xi32, #tpu.memory_space<vmem>>, vector<16xi32>,
        %swap3A_911 = vector.shape_cast %swap3A_910 : vector<16xi32> to vector<16xi32>
        %swap3A_912 = vector.shape_cast %add3A_908 : vector<16xi32> to vector<16xi32>
        tpu.vector_store %arg5[%swap3A_909], %swap3A_912 {strides = array<i32>} : memref<13312xi32, #tpu.memory_space<vmem>>, vector<16xi32>,
        %mul3A_913 = arith.constant 208 : i32
        %mul3A_914 = arith.muli %add3A_712, %mul3A_913 : i32
        %add3A_915 = arith.constant 128 : i32
        %add3A_916 = arith.addi %mul3A_914, %add3A_915 : i32
        %iota3A_917 = tpu.iota {dimensions = array<i32: 0>} : vector<16xi32>
        %add3A_918 = vector.broadcast %add3A_916 : i32 to vector<16xi32>
        %add3A_919 = arith.addi %add3A_918, %iota3A_917 : vector<16xi32>
        %rem3A_920 = arith.constant 26 : i32
        %rem3A_921 = vector.broadcast %rem3A_920 : i32 to vector<16xi32>
        %rem3A_922 = arith.remsi %add3A_919, %rem3A_921 : vector<16xi32>
        %mul3A_923 = arith.constant 3847 : i32
        %mul3A_924 = vector.broadcast %mul3A_923 : i32 to vector<16xi32>
        %mul3A_925 = arith.muli %rem3A_922, %mul3A_924 : vector<16xi32>
        %mul3A_926 = arith.constant 208 : i32
        %mul3A_927 = arith.muli %add3A_712, %mul3A_926 : i32
        %add3A_928 = arith.constant 128 : i32
        %add3A_929 = arith.addi %mul3A_927, %add3A_928 : i32
        %get3A_930 = arith.index_cast %add3A_929 : i32 to index
        %get3A_931 = tpu.vector_load %arg5[%get3A_930] {strides = array<i32>} : memref<13312xi32, #tpu.memory_space<vmem>>, vector<16xi32>,
        %get3A_932 = vector.shape_cast %get3A_931 : vector<16xi32> to vector<16xi32>
        %add3A_933 = arith.addi %get3A_932, %mul3A_925 : vector<16xi32>
        %swap3A_934 = arith.index_cast %add3A_929 : i32 to index
        %swap3A_935 = tpu.vector_load %arg5[%swap3A_934] {strides = array<i32>} : memref<13312xi32, #tpu.memory_space<vmem>>, vector<16xi32>,
        %swap3A_936 = vector.shape_cast %swap3A_935 : vector<16xi32> to vector<16xi32>
        %swap3A_937 = vector.shape_cast %add3A_933 : vector<16xi32> to vector<16xi32>
        tpu.vector_store %arg5[%swap3A_934], %swap3A_937 {strides = array<i32>} : memref<13312xi32, #tpu.memory_space<vmem>>, vector<16xi32>,
        %mul3A_938 = arith.constant 208 : i32
        %mul3A_939 = arith.muli %add3A_712, %mul3A_938 : i32
        %add3A_940 = arith.constant 144 : i32
        %add3A_941 = arith.addi %mul3A_939, %add3A_940 : i32
        %iota3A_942 = tpu.iota {dimensions = array<i32: 0>} : vector<16xi32>
        %add3A_943 = vector.broadcast %add3A_941 : i32 to vector<16xi32>
        %add3A_944 = arith.addi %add3A_943, %iota3A_942 : vector<16xi32>
        %rem3A_945 = arith.constant 26 : i32
        %rem3A_946 = vector.broadcast %rem3A_945 : i32 to vector<16xi32>
        %rem3A_947 = arith.remsi %add3A_944, %rem3A_946 : vector<16xi32>
        %mul3A_948 = arith.constant 3847 : i32
        %mul3A_949 = vector.broadcast %mul3A_948 : i32 to vector<16xi32>
        %mul3A_950 = arith.muli %rem3A_947, %mul3A_949 : vector<16xi32>
        %mul3A_951 = arith.constant 208 : i32
        %mul3A_952 = arith.muli %add3A_712, %mul3A_951 : i32
        %add3A_953 = arith.constant 144 : i32
        %add3A_954 = arith.addi %mul3A_952, %add3A_953 : i32
        %get3A_955 = arith.index_cast %add3A_954 : i32 to index
        %get3A_956 = tpu.vector_load %arg5[%get3A_955] {strides = array<i32>} : memref<13312xi32, #tpu.memory_space<vmem>>, vector<16xi32>,
        %get3A_957 = vector.shape_cast %get3A_956 : vector<16xi32> to vector<16xi32>
        %add3A_958 = arith.addi %get3A_957, %mul3A_950 : vector<16xi32>
        %swap3A_959 = arith.index_cast %add3A_954 : i32 to index
        %swap3A_960 = tpu.vector_load %arg5[%swap3A_959] {strides = array<i32>} : memref<13312xi32, #tpu.memory_space<vmem>>, vector<16xi32>,
        %swap3A_961 = vector.shape_cast %swap3A_960 : vector<16xi32> to vector<16xi32>
        %swap3A_962 = vector.shape_cast %add3A_958 : vector<16xi32> to vector<16xi32>
        tpu.vector_store %arg5[%swap3A_959], %swap3A_962 {strides = array<i32>} : memref<13312xi32, #tpu.memory_space<vmem>>, vector<16xi32>,
        %mul3A_963 = arith.constant 208 : i32
        %mul3A_964 = arith.muli %add3A_712, %mul3A_963 : i32
        %add3A_965 = arith.constant 160 : i32
        %add3A_966 = arith.addi %mul3A_964, %add3A_965 : i32
        %iota3A_967 = tpu.iota {dimensions = array<i32: 0>} : vector<16xi32>
        %add3A_968 = vector.broadcast %add3A_966 : i32 to vector<16xi32>
        %add3A_969 = arith.addi %add3A_968, %iota3A_967 : vector<16xi32>
        %rem3A_970 = arith.constant 26 : i32
        %rem3A_971 = vector.broadcast %rem3A_970 : i32 to vector<16xi32>
        %rem3A_972 = arith.remsi %add3A_969, %rem3A_971 : vector<16xi32>
        %mul3A_973 = arith.constant 3847 : i32
        %mul3A_974 = vector.broadcast %mul3A_973 : i32 to vector<16xi32>
        %mul3A_975 = arith.muli %rem3A_972, %mul3A_974 : vector<16xi32>
        %mul3A_976 = arith.constant 208 : i32
        %mul3A_977 = arith.muli %add3A_712, %mul3A_976 : i32
        %add3A_978 = arith.constant 160 : i32
        %add3A_979 = arith.addi %mul3A_977, %add3A_978 : i32
        %get3A_980 = arith.index_cast %add3A_979 : i32 to index
        %get3A_981 = tpu.vector_load %arg5[%get3A_980] {strides = array<i32>} : memref<13312xi32, #tpu.memory_space<vmem>>, vector<16xi32>,
        %get3A_982 = vector.shape_cast %get3A_981 : vector<16xi32> to vector<16xi32>
        %add3A_983 = arith.addi %get3A_982, %mul3A_975 : vector<16xi32>
        %swap3A_984 = arith.index_cast %add3A_979 : i32 to index
        %swap3A_985 = tpu.vector_load %arg5[%swap3A_984] {strides = array<i32>} : memref<13312xi32, #tpu.memory_space<vmem>>, vector<16xi32>,
        %swap3A_986 = vector.shape_cast %swap3A_985 : vector<16xi32> to vector<16xi32>
        %swap3A_987 = vector.shape_cast %add3A_983 : vector<16xi32> to vector<16xi32>
        tpu.vector_store %arg5[%swap3A_984], %swap3A_987 {strides = array<i32>} : memref<13312xi32, #tpu.memory_space<vmem>>, vector<16xi32>,
        %mul3A_988 = arith.constant 208 : i32
        %mul3A_989 = arith.muli %add3A_712, %mul3A_988 : i32
        %add3A_990 = arith.constant 176 : i32
        %add3A_991 = arith.addi %mul3A_989, %add3A_990 : i32
        %iota3A_992 = tpu.iota {dimensions = array<i32: 0>} : vector<16xi32>
        %add3A_993 = vector.broadcast %add3A_991 : i32 to vector<16xi32>
        %add3A_994 = arith.addi %add3A_993, %iota3A_992 : vector<16xi32>
        %rem3A_995 = arith.constant 26 : i32
        %rem3A_996 = vector.broadcast %rem3A_995 : i32 to vector<16xi32>
        %rem3A_997 = arith.remsi %add3A_994, %rem3A_996 : vector<16xi32>
        %mul3A_998 = arith.constant 3847 : i32
        %mul3A_999 = vector.broadcast %mul3A_998 : i32 to vector<16xi32>
        %mul3A_1000 = arith.muli %rem3A_997, %mul3A_999 : vector<16xi32>
        %mul3A_1001 = arith.constant 208 : i32
        %mul3A_1002 = arith.muli %add3A_712, %mul3A_1001 : i32
        %add3A_1003 = arith.constant 176 : i32
        %add3A_1004 = arith.addi %mul3A_1002, %add3A_1003 : i32
        %get3A_1005 = arith.index_cast %add3A_1004 : i32 to index
        %get3A_1006 = tpu.vector_load %arg5[%get3A_1005] {strides = array<i32>} : memref<13312xi32, #tpu.memory_space<vmem>>, vector<16xi32>,
        %get3A_1007 = vector.shape_cast %get3A_1006 : vector<16xi32> to vector<16xi32>
        %add3A_1008 = arith.addi %get3A_1007, %mul3A_1000 : vector<16xi32>
        %swap3A_1009 = arith.index_cast %add3A_1004 : i32 to index
        %swap3A_1010 = tpu.vector_load %arg5[%swap3A_1009] {strides = array<i32>} : memref<13312xi32, #tpu.memory_space<vmem>>, vector<16xi32>,
        %swap3A_1011 = vector.shape_cast %swap3A_1010 : vector<16xi32> to vector<16xi32>
        %swap3A_1012 = vector.shape_cast %add3A_1008 : vector<16xi32> to vector<16xi32>
        tpu.vector_store %arg5[%swap3A_1009], %swap3A_1012 {strides = array<i32>} : memref<13312xi32, #tpu.memory_space<vmem>>, vector<16xi32>,
        %mul3A_1013 = arith.constant 208 : i32
        %mul3A_1014 = arith.muli %add3A_712, %mul3A_1013 : i32
        %add3A_1015 = arith.constant 192 : i32
        %add3A_1016 = arith.addi %mul3A_1014, %add3A_1015 : i32
        %iota3A_1017 = tpu.iota {dimensions = array<i32: 0>} : vector<16xi32>
        %add3A_1018 = vector.broadcast %add3A_1016 : i32 to vector<16xi32>
        %add3A_1019 = arith.addi %add3A_1018, %iota3A_1017 : vector<16xi32>
        %rem3A_1020 = arith.constant 26 : i32
        %rem3A_1021 = vector.broadcast %rem3A_1020 : i32 to vector<16xi32>
        %rem3A_1022 = arith.remsi %add3A_1019, %rem3A_1021 : vector<16xi32>
        %mul3A_1023 = arith.constant 3847 : i32
        %mul3A_1024 = vector.broadcast %mul3A_1023 : i32 to vector<16xi32>
        %mul3A_1025 = arith.muli %rem3A_1022, %mul3A_1024 : vector<16xi32>
        %mul3A_1026 = arith.constant 208 : i32
        %mul3A_1027 = arith.muli %add3A_712, %mul3A_1026 : i32
        %add3A_1028 = arith.constant 192 : i32
        %add3A_1029 = arith.addi %mul3A_1027, %add3A_1028 : i32
        %get3A_1030 = arith.index_cast %add3A_1029 : i32 to index
        %get3A_1031 = tpu.vector_load %arg5[%get3A_1030] {strides = array<i32>} : memref<13312xi32, #tpu.memory_space<vmem>>, vector<16xi32>,
        %get3A_1032 = vector.shape_cast %get3A_1031 : vector<16xi32> to vector<16xi32>
        %add3A_1033 = arith.addi %get3A_1032, %mul3A_1025 : vector<16xi32>
        %swap3A_1034 = arith.index_cast %add3A_1029 : i32 to index
        %swap3A_1035 = tpu.vector_load %arg5[%swap3A_1034] {strides = array<i32>} : memref<13312xi32, #tpu.memory_space<vmem>>, vector<16xi32>,
        %swap3A_1036 = vector.shape_cast %swap3A_1035 : vector<16xi32> to vector<16xi32>
        %swap3A_1037 = vector.shape_cast %add3A_1033 : vector<16xi32> to vector<16xi32>
        tpu.vector_store %arg5[%swap3A_1034], %swap3A_1037 {strides = array<i32>} : memref<13312xi32, #tpu.memory_space<vmem>>, vector<16xi32>,
      } else {
      }
      %rem3A_613 = arith.constant 4 : i32
      %rem3A_614 = arith.remsi %scan3A_607, %rem3A_613 : i32
      %mul3A_615 = arith.constant 2 : i32
      %mul3A_616 = arith.muli %scan3A_607, %mul3A_615 : i32
      %add3A_617 = arith.constant 0 : i32
      %add3A_618 = arith.addi %mul3A_616, %add3A_617 : i32
      %mul3A_619 = arith.constant 104 : i32
      %mul3A_620 = arith.muli %add3A_618, %mul3A_619 : i32
      %mul3A_621 = arith.constant 2 : i32
      %mul3A_622 = arith.muli %rem3A_614, %mul3A_621 : i32
      %add3A_623 = arith.constant 0 : i32
      %add3A_624 = arith.addi %mul3A_622, %add3A_623 : i32
      %dma_wait3A_625 = arith.constant 0 : i32
      %dma_wait3A_626 = arith.constant 0 : i32
      %dma_wait3A_627 = tpu.memref_slice %arg6[%add3A_624, %dma_wait3A_625, %dma_wait3A_626] : memref<8x104x128xf32, #tpu.memory_space<vmem>> -> memref<1x104x128xf32, #tpu.memory_space<vmem>>
      %dma_wait3A_628 = tpu.memref_squeeze %dma_wait3A_627 : memref<1x104x128xf32, #tpu.memory_space<vmem>> -> memref<104x128xf32, #tpu.memory_space<vmem>>
      %dma_wait3A_629 = tpu.memref_slice %arg5[%mul3A_620] : memref<13312xi32, #tpu.memory_space<vmem>> -> memref<104xi32, #tpu.memory_space<vmem>>
      %dma_wait3A_630 = arith.constant 0 : i32
      %dma_wait3A_631 = arith.constant 0 : i32
      %dma_wait3A_632 = tpu.memref_slice %arg3[%dma_wait3A_630, %dma_wait3A_631] : memref<100022x128xf32, #tpu.memory_space<hbm>> -> memref<100022x128xf32, #tpu.memory_space<hbm>>
      tpu.wait_indirect_dma semaphore(%arg7 : memref<!tpu.dma_semaphore, #tpu.memory_space<semaphore_mem>>) src(%dma_wait3A_632 : memref<100022x128xf32, #tpu.memory_space<hbm>>) dst(%dma_wait3A_628 : memref<104x128xf32, #tpu.memory_space<vmem>>)
      %mul3A_633 = arith.constant 2 : i32
      %mul3A_634 = arith.muli %scan3A_607, %mul3A_633 : i32
      %add3A_635 = arith.constant 1 : i32
      %add3A_636 = arith.addi %mul3A_634, %add3A_635 : i32
      %mul3A_637 = arith.constant 104 : i32
      %mul3A_638 = arith.muli %add3A_636, %mul3A_637 : i32
      %mul3A_639 = arith.constant 2 : i32
      %mul3A_640 = arith.muli %rem3A_614, %mul3A_639 : i32
      %add3A_641 = arith.constant 1 : i32
      %add3A_642 = arith.addi %mul3A_640, %add3A_641 : i32
      %dma_wait3A_643 = arith.constant 0 : i32
      %dma_wait3A_644 = arith.constant 0 : i32
      %dma_wait3A_645 = tpu.memref_slice %arg6[%add3A_642, %dma_wait3A_643, %dma_wait3A_644] : memref<8x104x128xf32, #tpu.memory_space<vmem>> -> memref<1x104x128xf32, #tpu.memory_space<vmem>>
      %dma_wait3A_646 = tpu.memref_squeeze %dma_wait3A_645 : memref<1x104x128xf32, #tpu.memory_space<vmem>> -> memref<104x128xf32, #tpu.memory_space<vmem>>
      %dma_wait3A_647 = tpu.memref_slice %arg5[%mul3A_638] : memref<13312xi32, #tpu.memory_space<vmem>> -> memref<104xi32, #tpu.memory_space<vmem>>
      %dma_wait3A_648 = arith.constant 0 : i32
      %dma_wait3A_649 = arith.constant 0 : i32
      %dma_wait3A_650 = tpu.memref_slice %arg3[%dma_wait3A_648, %dma_wait3A_649] : memref<100022x128xf32, #tpu.memory_space<hbm>> -> memref<100022x128xf32, #tpu.memory_space<hbm>>
      tpu.wait_indirect_dma semaphore(%arg7 : memref<!tpu.dma_semaphore, #tpu.memory_space<semaphore_mem>>) src(%dma_wait3A_650 : memref<100022x128xf32, #tpu.memory_space<hbm>>) dst(%dma_wait3A_646 : memref<104x128xf32, #tpu.memory_space<vmem>>)
      %rem3A_651 = arith.constant 4 : i32
      %rem3A_652 = arith.remsi %scan3A_607, %rem3A_651 : i32
      %mul3A_653 = arith.constant 2 : i32
      %mul3A_654 = arith.muli %scan3A_607, %mul3A_653 : i32
      %add3A_655 = arith.constant 0 : i32
      %add3A_656 = arith.addi %mul3A_654, %add3A_655 : i32
      %mul3A_657 = arith.constant 2 : i32
      %mul3A_658 = arith.muli %rem3A_652, %mul3A_657 : i32
      %add3A_659 = arith.constant 0 : i32
      %add3A_660 = arith.addi %mul3A_658, %add3A_659 : i32
      %mul3A_661 = arith.constant 104 : i32
      %mul3A_662 = arith.muli %add3A_656, %mul3A_661 : i32
      %add3A_663 = arith.addi %mul3A_2, %mul3A_662 : i32
      %dma_start3A_664 = arith.constant 0 : i32
      %dma_start3A_665 = arith.constant 0 : i32
      %dma_start3A_666 = tpu.memref_slice %arg6[%add3A_660, %dma_start3A_664, %dma_start3A_665] : memref<8x104x128xf32, #tpu.memory_space<vmem>> -> memref<1x104x128xf32, #tpu.memory_space<vmem>>
      %dma_start3A_667 = tpu.memref_squeeze %dma_start3A_666 : memref<1x104x128xf32, #tpu.memory_space<vmem>> -> memref<104x128xf32, #tpu.memory_space<vmem>>
      %dma_start3A_668 = arith.constant 0 : i32
      %dma_start3A_669 = tpu.memref_slice %arg4[%add3A_663, %dma_start3A_668] : memref<425984x128xf32, #tpu.memory_space<hbm>> -> memref<104x128xf32, #tpu.memory_space<hbm>>
      %dma_start3A_670 = arith.constant 0 : i32
      %dma_start3A_671 = tpu.memref_slice %arg4[%add3A_663, %dma_start3A_670] : memref<425984x128xf32, #tpu.memory_space<hbm>> -> memref<104x128xf32, #tpu.memory_space<hbm>>
      %dma_start3A_672 = arith.constant 0 : i32
      %dma_start3A_673 = arith.constant 0 : i32
      %dma_start3A_674 = tpu.memref_slice %arg6[%add3A_660, %dma_start3A_672, %dma_start3A_673] : memref<8x104x128xf32, #tpu.memory_space<vmem>> -> memref<1x104x128xf32, #tpu.memory_space<vmem>>
      %dma_start3A_675 = tpu.memref_squeeze %dma_start3A_674 : memref<1x104x128xf32, #tpu.memory_space<vmem>> -> memref<104x128xf32, #tpu.memory_space<vmem>>
      tpu.enqueue_dma source(%dma_start3A_675 : memref<104x128xf32, #tpu.memory_space<vmem>>) target(%dma_start3A_671 : memref<104x128xf32, #tpu.memory_space<hbm>>) target_semaphore(%arg8 : memref<!tpu.dma_semaphore, #tpu.memory_space<semaphore_mem>>)
      %mul3A_676 = arith.constant 2 : i32
      %mul3A_677 = arith.muli %scan3A_607, %mul3A_676 : i32
      %add3A_678 = arith.constant 1 : i32
      %add3A_679 = arith.addi %mul3A_677, %add3A_678 : i32
      %mul3A_680 = arith.constant 2 : i32
      %mul3A_681 = arith.muli %rem3A_652, %mul3A_680 : i32
      %add3A_682 = arith.constant 1 : i32
      %add3A_683 = arith.addi %mul3A_681, %add3A_682 : i32
      %mul3A_684 = arith.constant 104 : i32
      %mul3A_685 = arith.muli %add3A_679, %mul3A_684 : i32
      %add3A_686 = arith.addi %mul3A_2, %mul3A_685 : i32
      %dma_start3A_687 = arith.constant 0 : i32
      %dma_start3A_688 = arith.constant 0 : i32
      %dma_start3A_689 = tpu.memref_slice %arg6[%add3A_683, %dma_start3A_687, %dma_start3A_688] : memref<8x104x128xf32, #tpu.memory_space<vmem>> -> memref<1x104x128xf32, #tpu.memory_space<vmem>>
      %dma_start3A_690 = tpu.memref_squeeze %dma_start3A_689 : memref<1x104x128xf32, #tpu.memory_space<vmem>> -> memref<104x128xf32, #tpu.memory_space<vmem>>
      %dma_start3A_691 = arith.constant 0 : i32
      %dma_start3A_692 = tpu.memref_slice %arg4[%add3A_686, %dma_start3A_691] : memref<425984x128xf32, #tpu.memory_space<hbm>> -> memref<104x128xf32, #tpu.memory_space<hbm>>
      %dma_start3A_693 = arith.constant 0 : i32
      %dma_start3A_694 = tpu.memref_slice %arg4[%add3A_686, %dma_start3A_693] : memref<425984x128xf32, #tpu.memory_space<hbm>> -> memref<104x128xf32, #tpu.memory_space<hbm>>
      %dma_start3A_695 = arith.constant 0 : i32
      %dma_start3A_696 = arith.constant 0 : i32
      %dma_start3A_697 = tpu.memref_slice %arg6[%add3A_683, %dma_start3A_695, %dma_start3A_696] : memref<8x104x128xf32, #tpu.memory_space<vmem>> -> memref<1x104x128xf32, #tpu.memory_space<vmem>>
      %dma_start3A_698 = tpu.memref_squeeze %dma_start3A_697 : memref<1x104x128xf32, #tpu.memory_space<vmem>> -> memref<104x128xf32, #tpu.memory_space<vmem>>
      tpu.enqueue_dma source(%dma_start3A_698 : memref<104x128xf32, #tpu.memory_space<vmem>>) target(%dma_start3A_694 : memref<104x128xf32, #tpu.memory_space<hbm>>) target_semaphore(%arg8 : memref<!tpu.dma_semaphore, #tpu.memory_space<semaphore_mem>>)
      %ge3A = arith.constant 2 : i32
      %ge3A_699 = arith.cmpi sge, %scan3A_607, %ge3A : i32
      %convert_element_type3A_700 = arith.extui %ge3A_699 : i1 to i32
      %cond3A_701 = arith.constant 0 : i32
      %cond3A_702 = arith.cmpi ne, %convert_element_type3A_700, %cond3A_701 : i32
      scf.if %cond3A_702 {
        %sub3A = arith.constant 2 : i32
        %sub3A_711 = arith.subi %scan3A_607, %sub3A : i32
        %rem3A_712 = arith.constant 4 : i32
        %rem3A_713 = arith.remsi %sub3A_711, %rem3A_712 : i32
        %mul3A_714 = arith.constant 2 : i32
        %mul3A_715 = arith.muli %sub3A_711, %mul3A_714 : i32
        %add3A_716 = arith.constant 0 : i32
        %add3A_717 = arith.addi %mul3A_715, %add3A_716 : i32
        %mul3A_718 = arith.constant 2 : i32
        %mul3A_719 = arith.muli %rem3A_713, %mul3A_718 : i32
        %add3A_720 = arith.constant 0 : i32
        %add3A_721 = arith.addi %mul3A_719, %add3A_720 : i32
        %mul3A_722 = arith.constant 104 : i32
        %mul3A_723 = arith.muli %add3A_717, %mul3A_722 : i32
        %add3A_724 = arith.addi %mul3A_2, %mul3A_723 : i32
        %dma_wait3A_725 = arith.constant 0 : i32
        %dma_wait3A_726 = arith.constant 0 : i32
        %dma_wait3A_727 = tpu.memref_slice %arg6[%add3A_721, %dma_wait3A_725, %dma_wait3A_726] : memref<8x104x128xf32, #tpu.memory_space<vmem>> -> memref<1x104x128xf32, #tpu.memory_space<vmem>>
        %dma_wait3A_728 = tpu.memref_squeeze %dma_wait3A_727 : memref<1x104x128xf32, #tpu.memory_space<vmem>> -> memref<104x128xf32, #tpu.memory_space<vmem>>
        %dma_wait3A_729 = arith.constant 0 : i32
        %dma_wait3A_730 = tpu.memref_slice %arg4[%add3A_724, %dma_wait3A_729] : memref<425984x128xf32, #tpu.memory_space<hbm>> -> memref<104x128xf32, #tpu.memory_space<hbm>>
        %dma_wait3A_731 = arith.constant 0 : i32
        %dma_wait3A_732 = tpu.memref_slice %arg4[%add3A_724, %dma_wait3A_731] : memref<425984x128xf32, #tpu.memory_space<hbm>> -> memref<104x128xf32, #tpu.memory_space<hbm>>
        %dma_wait3A_733 = arith.constant 0 : i32
        %dma_wait3A_734 = arith.constant 0 : i32
        %dma_wait3A_735 = tpu.memref_slice %arg6[%add3A_721, %dma_wait3A_733, %dma_wait3A_734] : memref<8x104x128xf32, #tpu.memory_space<vmem>> -> memref<1x104x128xf32, #tpu.memory_space<vmem>>
        %dma_wait3A_736 = tpu.memref_squeeze %dma_wait3A_735 : memref<1x104x128xf32, #tpu.memory_space<vmem>> -> memref<104x128xf32, #tpu.memory_space<vmem>>
        tpu.wait_dma2 semaphore(%arg8 : memref<!tpu.dma_semaphore, #tpu.memory_space<semaphore_mem>>) src(%dma_wait3A_736 : memref<104x128xf32, #tpu.memory_space<vmem>>) dst(%dma_wait3A_732 : memref<104x128xf32, #tpu.memory_space<hbm>>)
        %mul3A_737 = arith.constant 2 : i32
        %mul3A_738 = arith.muli %sub3A_711, %mul3A_737 : i32
        %add3A_739 = arith.constant 1 : i32
        %add3A_740 = arith.addi %mul3A_738, %add3A_739 : i32
        %mul3A_741 = arith.constant 2 : i32
        %mul3A_742 = arith.muli %rem3A_713, %mul3A_741 : i32
        %add3A_743 = arith.constant 1 : i32
        %add3A_744 = arith.addi %mul3A_742, %add3A_743 : i32
        %mul3A_745 = arith.constant 104 : i32
        %mul3A_746 = arith.muli %add3A_740, %mul3A_745 : i32
        %add3A_747 = arith.addi %mul3A_2, %mul3A_746 : i32
        %dma_wait3A_748 = arith.constant 0 : i32
        %dma_wait3A_749 = arith.constant 0 : i32
        %dma_wait3A_750 = tpu.memref_slice %arg6[%add3A_744, %dma_wait3A_748, %dma_wait3A_749] : memref<8x104x128xf32, #tpu.memory_space<vmem>> -> memref<1x104x128xf32, #tpu.memory_space<vmem>>
        %dma_wait3A_751 = tpu.memref_squeeze %dma_wait3A_750 : memref<1x104x128xf32, #tpu.memory_space<vmem>> -> memref<104x128xf32, #tpu.memory_space<vmem>>
        %dma_wait3A_752 = arith.constant 0 : i32
        %dma_wait3A_753 = tpu.memref_slice %arg4[%add3A_747, %dma_wait3A_752] : memref<425984x128xf32, #tpu.memory_space<hbm>> -> memref<104x128xf32, #tpu.memory_space<hbm>>
        %dma_wait3A_754 = arith.constant 0 : i32
        %dma_wait3A_755 = tpu.memref_slice %arg4[%add3A_747, %dma_wait3A_754] : memref<425984x128xf32, #tpu.memory_space<hbm>> -> memref<104x128xf32, #tpu.memory_space<hbm>>
        %dma_wait3A_756 = arith.constant 0 : i32
        %dma_wait3A_757 = arith.constant 0 : i32
        %dma_wait3A_758 = tpu.memref_slice %arg6[%add3A_744, %dma_wait3A_756, %dma_wait3A_757] : memref<8x104x128xf32, #tpu.memory_space<vmem>> -> memref<1x104x128xf32, #tpu.memory_space<vmem>>
        %dma_wait3A_759 = tpu.memref_squeeze %dma_wait3A_758 : memref<1x104x128xf32, #tpu.memory_space<vmem>> -> memref<104x128xf32, #tpu.memory_space<vmem>>
        tpu.wait_dma2 semaphore(%arg8 : memref<!tpu.dma_semaphore, #tpu.memory_space<semaphore_mem>>) src(%dma_wait3A_759 : memref<104x128xf32, #tpu.memory_space<vmem>>) dst(%dma_wait3A_755 : memref<104x128xf32, #tpu.memory_space<hbm>>)
      } else {
      }
      %add3A_703 = arith.constant 2 : i32
      %add3A_704 = arith.addi %scan3A_607, %add3A_703 : i32
      %lt3A_705 = arith.constant 64 : i32
      %lt3A_706 = arith.cmpi slt, %add3A_704, %lt3A_705 : i32
      %convert_element_type3A_707 = arith.extui %lt3A_706 : i1 to i32
      %cond3A_708 = arith.constant 0 : i32
      %cond3A_709 = arith.cmpi ne, %convert_element_type3A_707, %cond3A_708 : i32
      scf.if %cond3A_709 {
        %add3A_711 = arith.constant 2 : i32
        %add3A_712 = arith.addi %scan3A_607, %add3A_711 : i32
        %rem3A_713 = arith.constant 4 : i32
        %rem3A_714 = arith.remsi %add3A_712, %rem3A_713 : i32
        %mul3A_715 = arith.constant 2 : i32
        %mul3A_716 = arith.muli %add3A_712, %mul3A_715 : i32
        %add3A_717 = arith.constant 0 : i32
        %add3A_718 = arith.addi %mul3A_716, %add3A_717 : i32
        %mul3A_719 = arith.constant 104 : i32
        %mul3A_720 = arith.muli %add3A_718, %mul3A_719 : i32
        %mul3A_721 = arith.constant 2 : i32
        %mul3A_722 = arith.muli %rem3A_714, %mul3A_721 : i32
        %add3A_723 = arith.constant 0 : i32
        %add3A_724 = arith.addi %mul3A_722, %add3A_723 : i32
        %dma_start3A_725 = arith.constant 0 : i32
        %dma_start3A_726 = arith.constant 0 : i32
        %dma_start3A_727 = tpu.memref_slice %arg6[%add3A_724, %dma_start3A_725, %dma_start3A_726] : memref<8x104x128xf32, #tpu.memory_space<vmem>> -> memref<1x104x128xf32, #tpu.memory_space<vmem>>
        %dma_start3A_728 = tpu.memref_squeeze %dma_start3A_727 : memref<1x104x128xf32, #tpu.memory_space<vmem>> -> memref<104x128xf32, #tpu.memory_space<vmem>>
        %dma_start3A_729 = tpu.memref_slice %arg5[%mul3A_720] : memref<13312xi32, #tpu.memory_space<vmem>> -> memref<104xi32, #tpu.memory_space<vmem>>
        %dma_start3A_730 = arith.constant 0 : i32
        %dma_start3A_731 = arith.constant 0 : i32
        %dma_start3A_732 = tpu.memref_slice %arg3[%dma_start3A_730, %dma_start3A_731] : memref<100022x128xf32, #tpu.memory_space<hbm>> -> memref<100022x128xf32, #tpu.memory_space<hbm>>
        tpu.enqueue_indirect_dma source(%dma_start3A_732 : memref<100022x128xf32, #tpu.memory_space<hbm>>) target(%dma_start3A_728 : memref<104x128xf32, #tpu.memory_space<vmem>>) offsets(%dma_start3A_729 : memref<104xi32, #tpu.memory_space<vmem>>) semaphore(%arg7 : memref<!tpu.dma_semaphore, #tpu.memory_space<semaphore_mem>>)
        %mul3A_733 = arith.constant 2 : i32
        %mul3A_734 = arith.muli %add3A_712, %mul3A_733 : i32
        %add3A_735 = arith.constant 1 : i32
        %add3A_736 = arith.addi %mul3A_734, %add3A_735 : i32
        %mul3A_737 = arith.constant 104 : i32
        %mul3A_738 = arith.muli %add3A_736, %mul3A_737 : i32
        %mul3A_739 = arith.constant 2 : i32
        %mul3A_740 = arith.muli %rem3A_714, %mul3A_739 : i32
        %add3A_741 = arith.constant 1 : i32
        %add3A_742 = arith.addi %mul3A_740, %add3A_741 : i32
        %dma_start3A_743 = arith.constant 0 : i32
        %dma_start3A_744 = arith.constant 0 : i32
        %dma_start3A_745 = tpu.memref_slice %arg6[%add3A_742, %dma_start3A_743, %dma_start3A_744] : memref<8x104x128xf32, #tpu.memory_space<vmem>> -> memref<1x104x128xf32, #tpu.memory_space<vmem>>
        %dma_start3A_746 = tpu.memref_squeeze %dma_start3A_745 : memref<1x104x128xf32, #tpu.memory_space<vmem>> -> memref<104x128xf32, #tpu.memory_space<vmem>>
        %dma_start3A_747 = tpu.memref_slice %arg5[%mul3A_738] : memref<13312xi32, #tpu.memory_space<vmem>> -> memref<104xi32, #tpu.memory_space<vmem>>
        %dma_start3A_748 = arith.constant 0 : i32
        %dma_start3A_749 = arith.constant 0 : i32
        %dma_start3A_750 = tpu.memref_slice %arg3[%dma_start3A_748, %dma_start3A_749] : memref<100022x128xf32, #tpu.memory_space<hbm>> -> memref<100022x128xf32, #tpu.memory_space<hbm>>
        tpu.enqueue_indirect_dma source(%dma_start3A_750 : memref<100022x128xf32, #tpu.memory_space<hbm>>) target(%dma_start3A_746 : memref<104x128xf32, #tpu.memory_space<vmem>>) offsets(%dma_start3A_747 : memref<104xi32, #tpu.memory_space<vmem>>) semaphore(%arg7 : memref<!tpu.dma_semaphore, #tpu.memory_space<semaphore_mem>>)
      } else {
      }
      %scan3A_710 = arith.constant 0 : i32
      scf.yield %scan3A_710 : i32
    }
    %scan3A_529 = arith.constant 64 : i32
    %rem3A_530 = arith.constant 62 : i32
    %rem3A_531 = arith.constant 4 : i32
    %rem3A_532 = arith.remsi %rem3A_530, %rem3A_531 : i32
    %mul3A_533 = arith.constant 2 : i32
    %mul3A_534 = arith.muli %rem3A_532, %mul3A_533 : i32
    %add3A_535 = arith.constant 0 : i32
    %add3A_536 = arith.addi %mul3A_534, %add3A_535 : i32
    %add3A_537 = arith.constant 12896 : i32
    %add3A_538 = arith.addi %mul3A_2, %add3A_537 : i32
    %dma_wait3A = arith.constant 0 : i32
    %dma_wait3A_539 = arith.constant 0 : i32
    %dma_wait3A_540 = tpu.memref_slice %arg6[%add3A_536, %dma_wait3A, %dma_wait3A_539] : memref<8x104x128xf32, #tpu.memory_space<vmem>> -> memref<1x104x128xf32, #tpu.memory_space<vmem>>
    %dma_wait3A_541 = tpu.memref_squeeze %dma_wait3A_540 : memref<1x104x128xf32, #tpu.memory_space<vmem>> -> memref<104x128xf32, #tpu.memory_space<vmem>>
    %dma_wait3A_542 = arith.constant 0 : i32
    %dma_wait3A_543 = tpu.memref_slice %arg4[%add3A_538, %dma_wait3A_542] : memref<425984x128xf32, #tpu.memory_space<hbm>> -> memref<104x128xf32, #tpu.memory_space<hbm>>
    %dma_wait3A_544 = arith.constant 0 : i32
    %dma_wait3A_545 = tpu.memref_slice %arg4[%add3A_538, %dma_wait3A_544] : memref<425984x128xf32, #tpu.memory_space<hbm>> -> memref<104x128xf32, #tpu.memory_space<hbm>>
    %dma_wait3A_546 = arith.constant 0 : i32
    %dma_wait3A_547 = arith.constant 0 : i32
    %dma_wait3A_548 = tpu.memref_slice %arg6[%add3A_536, %dma_wait3A_546, %dma_wait3A_547] : memref<8x104x128xf32, #tpu.memory_space<vmem>> -> memref<1x104x128xf32, #tpu.memory_space<vmem>>
    %dma_wait3A_549 = tpu.memref_squeeze %dma_wait3A_548 : memref<1x104x128xf32, #tpu.memory_space<vmem>> -> memref<104x128xf32, #tpu.memory_space<vmem>>
    tpu.wait_dma2 semaphore(%arg8 : memref<!tpu.dma_semaphore, #tpu.memory_space<semaphore_mem>>) src(%dma_wait3A_549 : memref<104x128xf32, #tpu.memory_space<vmem>>) dst(%dma_wait3A_545 : memref<104x128xf32, #tpu.memory_space<hbm>>)
    %mul3A_550 = arith.constant 2 : i32
    %mul3A_551 = arith.muli %rem3A_532, %mul3A_550 : i32
    %add3A_552 = arith.constant 1 : i32
    %add3A_553 = arith.addi %mul3A_551, %add3A_552 : i32
    %add3A_554 = arith.constant 13000 : i32
    %add3A_555 = arith.addi %mul3A_2, %add3A_554 : i32
    %dma_wait3A_556 = arith.constant 0 : i32
    %dma_wait3A_557 = arith.constant 0 : i32
    %dma_wait3A_558 = tpu.memref_slice %arg6[%add3A_553, %dma_wait3A_556, %dma_wait3A_557] : memref<8x104x128xf32, #tpu.memory_space<vmem>> -> memref<1x104x128xf32, #tpu.memory_space<vmem>>
    %dma_wait3A_559 = tpu.memref_squeeze %dma_wait3A_558 : memref<1x104x128xf32, #tpu.memory_space<vmem>> -> memref<104x128xf32, #tpu.memory_space<vmem>>
    %dma_wait3A_560 = arith.constant 0 : i32
    %dma_wait3A_561 = tpu.memref_slice %arg4[%add3A_555, %dma_wait3A_560] : memref<425984x128xf32, #tpu.memory_space<hbm>> -> memref<104x128xf32, #tpu.memory_space<hbm>>
    %dma_wait3A_562 = arith.constant 0 : i32
    %dma_wait3A_563 = tpu.memref_slice %arg4[%add3A_555, %dma_wait3A_562] : memref<425984x128xf32, #tpu.memory_space<hbm>> -> memref<104x128xf32, #tpu.memory_space<hbm>>
    %dma_wait3A_564 = arith.constant 0 : i32
    %dma_wait3A_565 = arith.constant 0 : i32
    %dma_wait3A_566 = tpu.memref_slice %arg6[%add3A_553, %dma_wait3A_564, %dma_wait3A_565] : memref<8x104x128xf32, #tpu.memory_space<vmem>> -> memref<1x104x128xf32, #tpu.memory_space<vmem>>
    %dma_wait3A_567 = tpu.memref_squeeze %dma_wait3A_566 : memref<1x104x128xf32, #tpu.memory_space<vmem>> -> memref<104x128xf32, #tpu.memory_space<vmem>>
    tpu.wait_dma2 semaphore(%arg8 : memref<!tpu.dma_semaphore, #tpu.memory_space<semaphore_mem>>) src(%dma_wait3A_567 : memref<104x128xf32, #tpu.memory_space<vmem>>) dst(%dma_wait3A_563 : memref<104x128xf32, #tpu.memory_space<hbm>>)
    %rem3A_568 = arith.constant 63 : i32
    %rem3A_569 = arith.constant 4 : i32
    %rem3A_570 = arith.remsi %rem3A_568, %rem3A_569 : i32
    %mul3A_571 = arith.constant 2 : i32
    %mul3A_572 = arith.muli %rem3A_570, %mul3A_571 : i32
    %add3A_573 = arith.constant 0 : i32
    %add3A_574 = arith.addi %mul3A_572, %add3A_573 : i32
    %add3A_575 = arith.constant 13104 : i32
    %add3A_576 = arith.addi %mul3A_2, %add3A_575 : i32
    %dma_wait3A_577 = arith.constant 0 : i32
    %dma_wait3A_578 = arith.constant 0 : i32
    %dma_wait3A_579 = tpu.memref_slice %arg6[%add3A_574, %dma_wait3A_577, %dma_wait3A_578] : memref<8x104x128xf32, #tpu.memory_space<vmem>> -> memref<1x104x128xf32, #tpu.memory_space<vmem>>
    %dma_wait3A_580 = tpu.memref_squeeze %dma_wait3A_579 : memref<1x104x128xf32, #tpu.memory_space<vmem>> -> memref<104x128xf32, #tpu.memory_space<vmem>>
    %dma_wait3A_581 = arith.constant 0 : i32
    %dma_wait3A_582 = tpu.memref_slice %arg4[%add3A_576, %dma_wait3A_581] : memref<425984x128xf32, #tpu.memory_space<hbm>> -> memref<104x128xf32, #tpu.memory_space<hbm>>
    %dma_wait3A_583 = arith.constant 0 : i32
    %dma_wait3A_584 = tpu.memref_slice %arg4[%add3A_576, %dma_wait3A_583] : memref<425984x128xf32, #tpu.memory_space<hbm>> -> memref<104x128xf32, #tpu.memory_space<hbm>>
    %dma_wait3A_585 = arith.constant 0 : i32
    %dma_wait3A_586 = arith.constant 0 : i32
    %dma_wait3A_587 = tpu.memref_slice %arg6[%add3A_574, %dma_wait3A_585, %dma_wait3A_586] : memref<8x104x128xf32, #tpu.memory_space<vmem>> -> memref<1x104x128xf32, #tpu.memory_space<vmem>>
    %dma_wait3A_588 = tpu.memref_squeeze %dma_wait3A_587 : memref<1x104x128xf32, #tpu.memory_space<vmem>> -> memref<104x128xf32, #tpu.memory_space<vmem>>
    tpu.wait_dma2 semaphore(%arg8 : memref<!tpu.dma_semaphore, #tpu.memory_space<semaphore_mem>>) src(%dma_wait3A_588 : memref<104x128xf32, #tpu.memory_space<vmem>>) dst(%dma_wait3A_584 : memref<104x128xf32, #tpu.memory_space<hbm>>)
    %mul3A_589 = arith.constant 2 : i32
    %mul3A_590 = arith.muli %rem3A_570, %mul3A_589 : i32
    %add3A_591 = arith.constant 1 : i32
    %add3A_592 = arith.addi %mul3A_590, %add3A_591 : i32
    %add3A_593 = arith.constant 13208 : i32
    %add3A_594 = arith.addi %mul3A_2, %add3A_593 : i32
    %dma_wait3A_595 = arith.constant 0 : i32
    %dma_wait3A_596 = arith.constant 0 : i32
    %dma_wait3A_597 = tpu.memref_slice %arg6[%add3A_592, %dma_wait3A_595, %dma_wait3A_596] : memref<8x104x128xf32, #tpu.memory_space<vmem>> -> memref<1x104x128xf32, #tpu.memory_space<vmem>>
    %dma_wait3A_598 = tpu.memref_squeeze %dma_wait3A_597 : memref<1x104x128xf32, #tpu.memory_space<vmem>> -> memref<104x128xf32, #tpu.memory_space<vmem>>
    %dma_wait3A_599 = arith.constant 0 : i32
    %dma_wait3A_600 = tpu.memref_slice %arg4[%add3A_594, %dma_wait3A_599] : memref<425984x128xf32, #tpu.memory_space<hbm>> -> memref<104x128xf32, #tpu.memory_space<hbm>>
    %dma_wait3A_601 = arith.constant 0 : i32
    %dma_wait3A_602 = tpu.memref_slice %arg4[%add3A_594, %dma_wait3A_601] : memref<425984x128xf32, #tpu.memory_space<hbm>> -> memref<104x128xf32, #tpu.memory_space<hbm>>
    %dma_wait3A_603 = arith.constant 0 : i32
    %dma_wait3A_604 = arith.constant 0 : i32
    %dma_wait3A_605 = tpu.memref_slice %arg6[%add3A_592, %dma_wait3A_603, %dma_wait3A_604] : memref<8x104x128xf32, #tpu.memory_space<vmem>> -> memref<1x104x128xf32, #tpu.memory_space<vmem>>
    %dma_wait3A_606 = tpu.memref_squeeze %dma_wait3A_605 : memref<1x104x128xf32, #tpu.memory_space<vmem>> -> memref<104x128xf32, #tpu.memory_space<vmem>>
    tpu.wait_dma2 semaphore(%arg8 : memref<!tpu.dma_semaphore, #tpu.memory_space<semaphore_mem>>) src(%dma_wait3A_606 : memref<104x128xf32, #tpu.memory_space<vmem>>) dst(%dma_wait3A_602 : memref<104x128xf32, #tpu.memory_space<hbm>>)
    return
  }
}

</mosaic_0001>

<sc_bundles>
// kernel: _embed.3.cloned.1.call-start
scs
__scs_entry_jumppad:
0x0: {  	(pc) =	sbr.rel $0x88, $3  }
0x1: {  	(tag) =	ssettag $0x0;
	lr =	simm.s32 $0x1  }
0x2: {  	[smem:$0x3F9F] =	sst lr;
	_ =	strace $0xD0000000  }
0x3: {  	_ = 	snop  }
0x4: {  	_ = 	snop  }
0x5: {  	_ = 	snop  }
0x6: {  	_ = 	snop  }
0x7: {  	_ = 	snop  }
__scs_overlays_trampoline_lowered:
0x8: {  	[smem:$0x3FAE] =	sst s0  }
0x9: {  	[smem:$0x3FAF] =	sst s1  }
0xa: {  	[smem:$0x3FB0] =	sst s2  }
0xb: {  	[smem:$0x3FB1] =	sst s3  }
0xc: {  	[smem:$0x3FB2] =	sst s4  }
0xd: {  	[smem:$0x3FB3] =	sst s5  }
0xe: {  	[smem:$0x3FB4] =	sst s6  }
0xf: {  	[smem:$0x3FB5] =	sst s7  }
0x10: {  	[smem:$0x3FB6] =	sst s8  }
0x11: {  	[smem:$0x3FB7] =	sst s9;
	s0 =	simm.s32 @!p0 $0x0  }
0x12: {  	s1 =	sld [smem:$0x3F9D];
	s0 =	simm.s32 @p0 $0x1  }
0x13: {  	[smem:$0x3FB8] =	sst s0;
	s0 =	simm.s32 @!p1 $0x0  }
0x14: {  	s2 =	sld [smem:$0x3F9C];
	s0 =	simm.s32 @p1 $0x1  }
0x15: {  	[smem:$0x3FB9] =	sst s0;
	s0 =	simm.s32 @!p2 $0x0  }
0x16: {  	s3 =	sld [smem:$0x3FDB];
	s0 =	simm.s32 @p2 $0x1  }
0x17: {  	s4 =	simm.s32 $0x1BF5;
	[smem:$0x3FBB] =	sst s0  }
0x18: {  	s0 =	sld [smem:$0x3F9E];
	_ =	swait.ge [sflag:s4], $0x0  }
0x19: {  	s7 =	sld [smem:$0x3F9F]  }
0x1a: {  	s8 =	sadd.s32 $0xFFFFE003, lr  }
0x1b: {  	s9 =	sadd.s32 $0xFFFFFEF7, lr;
	s5 =	simm.s32 $0xFFFFFFFF;
	p2 =	slt.u32 s8, $0xFFFFF086  }
0x1c: {  	p1 =	slt.u32 s9, $0xF7A;
	s5 =	simm.s32 @!p2 $0x0  }
0x1d: {  	s5 =	simm.s32 @p1 $0x1;
	p0 =	seq.s32 s7, s2  }
0x1e: {  	s7 =	smul.u32 @!p0 $0xF7A, s2;
	p2 =	seq.s32 @!p0 s5, $0x0  }
0x1f: {  	s9 =	smul.u32 $0xF7A, s1;
	s8 =	simm.s32 @!p0 $0x1BF5;
	p2 =	por !p2, p0  }
0x20: {  	[sflag:s8] =	ssyncset.s32 @!p0 $0xFFFFF086;
	s6 =	sadd.s32 @!p0 s3, s7;
	s7 =	simm.s32 @!p0 $0x108  }
0x21: {  	s3 =	sadd.s32 s3, s9;
	s6 =	sadd.s32 @!p0 $0x88, s6;
	s7 =	simm.s32 @p2 $0x1082  }
0x22: {  	[simem:s7], [sflag:s8] =	dma.local @!p0 [hbm:s6], $0xF7A  }
0x23: {  	s9 =	sor.u32 $0xD0000000, s2;
	s6 =	simm.s32 $0x108;
	_ =	swait.ge @!p0 [sflag:s8], $0x0  }
0x24: {  	s3 =	sadd.s32 $0x88, s3;
	s6 =	simm.s32 @!p1 $0x1082;
	[sflag:s4] =	ssyncset.s32 $0xFFFFF086  }
0x25: {  	[simem:s6], [sflag:s4] =	dma.local [hbm:s3], $0xF7A  }
0x26: {  	[smem:$0x3F9F] =	sst s1;
	(tag) =	ssettag s2;
	_ =	strace s9  }
0x27: {  	s1 =	sld [smem:$0x3FAF]  }
0x28: {  	s2 =	sld [smem:$0x3FB0]  }
0x29: {  	s4 =	sld [smem:$0x3FB2]  }
0x2a: {  	p0 =	seq.s32 s5, $0x0;
	s5 =	sld [smem:$0x3FB3]  }
0x2b: {  	s6 =	sld [smem:$0x3FB4]  }
0x2c: {  	s7 =	sld [smem:$0x3FB5]  }
0x2d: {  	s3 =	simm.s32 $0x108;
	s8 =	sld [smem:$0x3FB6]  }
0x2e: {  	s3 =	simm.s32 @!p0 $0x1082;
	s9 =	sld [smem:$0x3FB7]  }
0x2f: {  	lr =	sadd.s32 s0, s3;
	s0 =	sld [smem:$0x3FAE]  }
0x30: {  	s3 =	sld [smem:$0x3FB1]  }
0x31: {  	[smem:$0x3FBA] =	sst s10  }
0x32: {  	s10 =	sld [smem:$0x3FB8];
	_ =	sdelay $0x3  }
0x33: {  	p0 =	seq.s32 s10, $0x1;
	s10 =	sld [smem:$0x3FBA];
	_ =	sdelay $0x3  }
0x34: {  	[smem:$0x3FBA] =	sst s10  }
0x35: {  	s10 =	sld [smem:$0x3FB9];
	_ =	sdelay $0x3  }
0x36: {  	p1 =	seq.s32 s10, $0x1;
	s10 =	sld [smem:$0x3FBA];
	_ =	sdelay $0x3  }
0x37: {  	[smem:$0x3FBA] =	sst s10  }
0x38: {  	s10 =	sld [smem:$0x3FBB]  }
0x39: {  	_ = 	snop;
	(pc) =	sbr.ind lr, $3  }
0x3a: {  	_ = 	snop  }
0x3b: {  	_ = 	snop  }
0x3c: {  	p2 =	seq.s32 s10, $0x1;
	s10 =	sld [smem:$0x3FBA]  }
0x3d: {  	_ =	shalt  }
0x3e: {  	_ =	shalt  }
0x3f: {  	_ =	shalt  }
0x40: {  	_ =	shalt  }
0x41: {  	_ =	shalt  }
0x42: {  	_ =	shalt  }
0x43: {  	_ =	shalt  }
0x44: {  	_ =	shalt  }
0x45: {  	_ =	shalt  }
0x46: {  	_ =	shalt  }
0x47: {  	_ =	shalt  }
0x48: {  	_ =	shalt  }
0x49: {  	_ =	shalt  }
0x4a: {  	_ =	shalt  }
0x4b: {  	_ =	shalt  }
0x4c: {  	_ =	shalt  }
0x4d: {  	_ =	shalt  }
0x4e: {  	_ =	shalt  }
0x4f: {  	_ =	shalt  }
0x50: {  	_ =	shalt  }
0x51: {  	_ =	shalt  }
0x52: {  	_ =	shalt  }
0x53: {  	_ =	shalt  }
0x54: {  	_ =	shalt  }
0x55: {  	_ =	shalt  }
0x56: {  	_ =	shalt  }
0x57: {  	_ =	shalt  }
0x58: {  	_ =	shalt  }
0x59: {  	_ =	shalt  }
0x5a: {  	_ =	shalt  }
0x5b: {  	_ =	shalt  }
0x5c: {  	_ =	shalt  }
0x5d: {  	_ =	shalt  }
0x5e: {  	_ =	shalt  }
0x5f: {  	_ =	shalt  }
0x60: {  	_ =	shalt  }
0x61: {  	_ =	shalt  }
0x62: {  	_ =	shalt  }
0x63: {  	_ =	shalt  }
0x64: {  	_ =	shalt  }
0x65: {  	_ =	shalt  }
0x66: {  	_ =	shalt  }
0x67: {  	_ =	shalt  }
0x68: {  	_ =	shalt  }
0x69: {  	_ =	shalt  }
0x6a: {  	_ =	shalt  }
0x6b: {  	_ =	shalt  }
0x6c: {  	_ =	shalt  }
0x6d: {  	_ =	shalt  }
0x6e: {  	_ =	shalt  }
0x6f: {  	_ =	shalt  }
0x70: {  	_ =	shalt  }
0x71: {  	_ =	shalt  }
0x72: {  	_ =	shalt  }
0x73: {  	_ =	shalt  }
0x74: {  	_ =	shalt  }
0x75: {  	_ =	shalt  }
0x76: {  	_ =	shalt  }
0x77: {  	_ =	shalt  }
0x78: {  	_ =	shalt  }
0x79: {  	_ =	shalt  }
0x7a: {  	_ =	shalt  }
0x7b: {  	_ =	shalt  }
0x7c: {  	_ =	shalt  }
0x7d: {  	_ =	shalt  }
0x7e: {  	_ =	shalt  }
0x7f: {  	_ =	shalt  }
0x80: {  	_ =	shalt  }
0x81: {  	_ =	shalt  }
0x82: {  	_ =	shalt  }
0x83: {  	_ =	shalt  }
0x84: {  	_ =	shalt  }
0x85: {  	_ =	shalt  }
0x86: {  	_ =	shalt  }
0x87: {  	_ =	shalt  }
.Lfunc_end0:
.L_simem_size_0:
called_computation_lowered:
.L_overlay_start_0:
0x88: {  	s2 =	sld [smem:$0x3FD9]  }
0x89: {  	s3 =	sld [smem:$0x3FFE];
	_ =	sdelay $0x1  }
0x8a: {  	s1 =	srdreg.scid  }
0x8b: {  	s0 =	sand.u32 $0x1, s1  }
0x8c: {  	s18 =	sshll.u32 s0, $0xA;
	s2 =	sadd.s32 s3, s2  }
0x8d: {  	s2 =	sadd.s32 s2, s18  }
0x8e: {  	[smem:$0x3FC6] =	sst s2  }
0x8f: {  	_ = 	snop  }
0x90: {  	s2 =	sld [smem:$0x3FC9]  }
0x91: {  	s19 =	sld [smem:$0x3FC8]  }
0x92: {  	s4 =	sld [smem:$0x3FD0];
	(tm) =	ssettm $0x1  }
0x93: {  	s5 =	sld [smem:$0x3FFB];
	_ =	sdelay $0x3  }
0x94: {  	_ =	strace s5  }
0x95: {  	s5 =	sld [smem:$0x3FFC];
	_ =	sdelay $0x3  }
0x96: {  	_ =	strace s5  }
0x97: {  	s5 =	sld [smem:$0x3FFD];
	_ =	sdelay $0x3  }
0x98: {  	_ =	strace s5  }
0x99: {  	_ =	strace $0x8FFFFFFF  }
0x9a: {  	s20 =	sld [smem:$0x3FDB];
	_ =	sdelay $0x1  }
0x9b: {  	s6 =	simm.s32 $_scs_section_size  }
0x9c: {  	s7 =	simm.s32 $_size__tile_overlayer_lowered;
	s8 =	simm.s32 $_tile_overlayer_lowered  }
0x9d: {  	s23 =	simm.s32 $0x1BFF;
	s22 =	sshll.u32 s8, $0x1;
	s5 =	sadd.s32 s6, s20  }
0x9e: {  	s9 =	simm.s32 $0x0;
	s21 =	sshll.u32 s7, $0x1;
	s7 =	sadd.s32 s22, s5  }
0x9f: {  	[timem:s9], [sflag:s23] =	dma.local [hbm:s7], s21  }
0xa0: {  	_ =	swait.ge [sflag:s23], s21  }
0xa1: {  	s6 =	ssub.s32 $0x0, s21;
	[sflag:s23] =	ssyncset.done $0x0  }
0xa2: {  	[sflag:s23] =	ssyncadd.s32 s6;
	_ =	sdelay $0x1  }
0xa3: {  	s24 =	simm.s32 $0x1B8B  }
0xa4: {  	_ =	swait.ge [sflag:s24], $0x1  }
0xa5: {  	[sflag:s24] =	ssyncset.done $0x0  }
0xa6: {  	s25 =	simm.s32 $0x1B8E;
	[sflag:s24] =	ssyncadd.s32 $0xFFFFFFFF  }
0xa7: {  	s26 =	simm.s32 $execute0_lowered;
	[smem:$0x3FD2] =	sst s25  }
0xa8: {  	s6 =	sshll.u32 s26, $0x1;
	_ =	strace $0x80000046;
	[dreg:$0x1] =	wrdreg $0xFFFFFFFF  }
0xa9: {  	s28 =	simm.s32 $_size_execute0_lowered;
	s5 =	sadd.s32 s5, s6;
	[dreg:$0x0] =	wrdreg $0x0  }
0xaa: {  	s6 =	sshll.u32 s28, $0x1;
	[dreg:$0x2] =	wrdreg s5  }
0xab: {  	[dreg:$0x3] =	wrdreg s6  }
0xac: {  	[dreg:$0x4] =	wrdreg $0xC0  }
0xad: {  	_ =	task [dreg:s9], $0x5FFFF  }
0xae: {  	[dreg:$0x1] =	wrdreg $0xFFFFFFFF  }
0xaf: {  	[dreg:$0x0] =	wrdreg $0x60  }
0xb0: {  	[dreg:$0x2] =	wrdreg s2  }
0xb1: {  	[dreg:$0x3] =	wrdreg s19  }
0xb2: {  	[dreg:$0x4] =	wrdreg s4  }
0xb3: {  	[dreg:$0x5] =	wrdreg $0x9  }
0xb4: {  	_ =	task.clear_ibuf [dreg:s9], $0x6FFFF;
	_ =	strace $0x90000046  }
0xb5: {  	s29 =	simm.s32 $0x9;
	_ =	strace $0x80000048  }
0xb6: {  	_ =	swait.ge [sflag:s29], $0x1  }
0xb7: {  	[sflag:s29] =	ssyncadd.s32 $0xFFFFFFFF  }
0xb8: {  	_ =	strace $0x90000048  }
0xb9: {  	_ =	sfence  }
0xba: {  	s30 =	sld [smem:$0x0];
	_ =	sdelay $0x2  }
0xbb: {  	s31 =	sshll.u32 s1, $0xD;
	s1 =	sshrl.u32 s1, $0x2  }
0xbc: {  	s3 =	sand.u32 $0x4000, s31;
	s1 =	sadd.s32 s1, s30  }
0xbd: {  	s0 =	sor.u32 s3, s0;
	s1 =	sshll.u32 s1, $0x11  }
0xbe: {  	s0 =	sor.u32 s1, s0  }
0xbf: {  	s0 =	sadd.s32 $0x8F2B, s0  }
0xc0: {  	[sflag:s0] =	ssyncadd.remote.s32 $0x1  }
0xc1: {  	_ =	sfence.sel $0xFFFF  }
0xc2: {  	[dreg:$0x0] =	wrdreg $0xFFFFFFFF;
	(pc) =	sbr.abs _section_cstart, $3  }
0xc3: {  	[dreg:$0x1] =	wrdreg $0xFFFFFFFF  }
0xc4: {  	_ =	task.clear_ibuf [dreg:s9], $0x2FFFF;
	_ =	strace $0x9FFFFFFF  }
0xc5: {  	(tm) =	ssettm $0x7FFFFFFF  }
tec
execute0_lowered:
.L_overlay_start_1:
0x0: {  	(tag) =	ssettag $0x1  }
0x1: {  	vm14 =	vcmask $0x300;
	v0 =	vimm.s32 $0x4B23  }
0x2: {  	vm13 =	vcmask $0x704;
	vm12 =	vcmask $0xB08;
	vm11 =	vcmask $0xF0C  }
0x3: {  	vm10 =	vcmask $0x1310;
	vm9 =	vcmask $0x1714;
	vm8 =	vcmask $0x1B18  }
0x4: {  	vm7 =	vcmask $0x1F1C;
	vm6 =	vcmask $0x2320;
	vm5 =	vcmask $0x2724  }
0x5: {  	vm4 =	vcmask $0x2B28;
	vm3 =	vcmask $0x2F2C;
	vm2 =	vcmask $0x3330  }
0x6: {  	vm1 =	vcmask $0x3734;
	vm0 =	vcmask $0x3B38;
	v4 =	vimm.s32 $0xA54D  }
0x7: {  	v5 =	vimm.s32 $0xF07;
	v6 =	vimm.s32 $0x6931;
	v9 =	vimm.s32 $0xC35B  }
0x8: {  	v10 =	vimm.s32 $0x2D15;
	v11 =	vimm.s32 $0x873F;
	v0 =	vsel vm14, $0xF070, v0  }
0x9: {  	v4 =	vsel vm14, $0x14A9A, v4;
	v5 =	vsel vm14, $0xB454, v5;
	v6 =	vsel vm14, $0x10E7E, v6  }
0xa: {  	v9 =	vsel vm14, $0x168A8, v9;
	v10 =	vsel vm14, $0xD262, v10;
	v11 =	vsel vm14, $0x12C8C, v11  }
0xb: {  	v0 =	vsel vm13, $0xFF77, v0;
	v4 =	vsel vm13, $0x159A1, v4;
	v5 =	vsel vm13, $0xC35B, v5  }
0xc: {  	v6 =	vsel vm13, $0x11D85, v6;
	v9 =	vsel vm13, $0x177AF, v9;
	v10 =	vsel vm13, $0xE169, v10  }
0xd: {  	v11 =	vsel vm13, $0x13B93, v11;
	v0 =	vsel vm12, $0x10E7E, v0;
	v4 =	vsel vm12, $0x168A8, v4  }
0xe: {  	v5 =	vsel vm12, $0xD262, v5;
	v6 =	vsel vm12, $0x12C8C, v6;
	v9 =	vsel vm12, $0x0, v9  }
0xf: {  	v10 =	vsel vm12, $0xF070, v10;
	v11 =	vsel vm12, $0x14A9A, v11;
	v0 =	vsel vm11, $0x11D85, v0  }
0x10: {  	v4 =	vsel vm11, $0x177AF, v4;
	v5 =	vsel vm11, $0xE169, v5;
	v6 =	vsel vm11, $0x13B93, v6  }
0x11: {  	v9 =	vsel vm11, $0xF07, v9;
	v10 =	vsel vm11, $0xFF77, v10;
	v11 =	vsel vm11, $0x159A1, v11  }
0x12: {  	v0 =	vsel vm10, $0x12C8C, v0;
	v4 =	vsel vm10, $0x0, v4;
	v5 =	vsel vm10, $0xF070, v5  }
0x13: {  	v6 =	vsel vm10, $0x14A9A, v6;
	v9 =	vsel vm10, $0x1E0E, v9;
	v10 =	vsel vm10, $0x10E7E, v10  }
0x14: {  	v11 =	vsel vm10, $0x168A8, v11;
	v0 =	vsel vm9, $0x13B93, v0;
	v4 =	vsel vm9, $0xF07, v4  }
0x15: {  	v5 =	vsel vm9, $0xFF77, v5;
	v6 =	vsel vm9, $0x159A1, v6;
	v9 =	vsel vm9, $0x2D15, v9  }
0x16: {  	v10 =	vsel vm9, $0x11D85, v10;
	v11 =	vsel vm9, $0x177AF, v11;
	v0 =	vsel vm8, $0x14A9A, v0  }
0x17: {  	v4 =	vsel vm8, $0x1E0E, v4;
	v5 =	vsel vm8, $0x10E7E, v5;
	v6 =	vsel vm8, $0x168A8, v6  }
0x18: {  	v9 =	vsel vm8, $0x3C1C, v9;
	v10 =	vsel vm8, $0x12C8C, v10;
	v11 =	vsel vm8, $0x0, v11  }
0x19: {  	v0 =	vsel vm7, $0x159A1, v0;
	v4 =	vsel vm7, $0x2D15, v4;
	v5 =	vsel vm7, $0x11D85, v5  }
0x1a: {  	v6 =	vsel vm7, $0x177AF, v6;
	v9 =	vsel vm7, $0x4B23, v9;
	v10 =	vsel vm7, $0x13B93, v10  }
0x1b: {  	v11 =	vsel vm7, $0xF07, v11;
	v0 =	vsel vm6, $0x168A8, v0;
	v4 =	vsel vm6, $0x3C1C, v4  }
0x1c: {  	v5 =	vsel vm6, $0x12C8C, v5;
	v6 =	vsel vm6, $0x0, v6;
	v9 =	vsel vm6, $0x5A2A, v9  }
0x1d: {  	v10 =	vsel vm6, $0x14A9A, v10;
	v11 =	vsel vm6, $0x1E0E, v11;
	v0 =	vsel vm5, $0x177AF, v0  }
0x1e: {  	s4 =	rddreg [dreg:$0x0];
	v4 =	vsel vm5, $0x4B23, v4;
	v5 =	vsel vm5, $0x13B93, v5;
	v6 =	vsel vm5, $0xF07, v6  }
0x1f: {  	s0 =	rddreg [dreg:$0x1];
	v9 =	vsel vm5, $0x6931, v9;
	v10 =	vsel vm5, $0x159A1, v10;
	v11 =	vsel vm5, $0x2D15, v11  }
0x20: {  	s5 =	rddreg [dreg:$0x2];
	v1 =	vsel vm4, $0x0, v0;
	v0 =	vlaneseq.u32;
	v4 =	vsel vm4, $0x5A2A, v4  }
0x21: {  	s1 =	rddreg [dreg:$0x3];
	s6 =	srdreg.scid;
	s3 =	simm.s32 $0x0;
	v5 =	vsel vm4, $0x14A9A, v5;
	v6 =	vsel vm4, $0x1E0E, v6;
	v9 =	vsel vm4, $0x7838, v9  }
0x22: {  	s2 =	stileid.u32;
	s11 =	simm.s32 $0x3400;
	s12 =	simm.s32 $0x6800;
	v10 =	vsel vm4, $0x168A8, v10;
	v11 =	vsel vm4, $0x3C1C, v11;
	v2 =	vsel vm3, $0xF07, v1  }
0x23: {  	s13 =	simm.s32 $0xD0;
	s14 =	simm.s32 $0x9C00;
	s15 =	simm.s32 $0x138;
	v1 =	vmul.u32 $0xF07, v0;
	v4 =	vsel vm3, $0x6931, v4;
	v5 =	vsel vm3, $0x159A1, v5  }
0x24: {  	s16 =	simm.s32 $0xD000;
	s17 =	simm.s32 $0x1;
	s18 =	simm.s32 $0x2;
	v6 =	vsel vm3, $0x2D15, v6;
	v9 =	vsel vm3, $0x873F, v9;
	v10 =	vsel vm3, $0x177AF, v10  }
0x25: {  	s19 =	simm.s32 $0x0;
	s6 =	sand.u32 $0x1, s6;
	s7 =	sshrl.u32 s2, $0x2;
	v11 =	vsel vm3, $0x4B23, v11;
	v2 =	vsel vm2, $0x1E0E, v2;
	v4 =	vsel vm2, $0x7838, v4  }
0x26: {  	s8 =	sshll.u32 s2, $0x8;
	[smem:$0x7FF] =	sst s3;
	s30 =	smul.u32 $0x68000, s2;
	v5 =	vsel vm2, $0x168A8, v5;
	v6 =	vsel vm2, $0x3C1C, v6;
	v9 =	vsel vm2, $0x9646, v9  }
0x27: {  	s9 =	sshll.u32 s6, $0x7;
	s7 =	smul.u32 $0x1A000, s7;
	_ =	strace $0x80000047;
	v10 =	vsel vm2, $0x0, v10;
	v11 =	vsel vm2, $0x5A2A, v11;
	v2 =	vsel vm1, $0x2D15, v2  }
0x28: {  	s10 =	ssub.s32 $0x2, s6;
	s6 =	smul.u32 $0x34000, s6;
	s8 =	sor.u32 s9, s8;
	v3 =	vadd.s32 $0x5A2A, v1;
	v4 =	vsel vm1, $0x873F, v4;
	v5 =	vsel vm1, $0x177AF, v5  }
.Ltmp0:
0x29: {  	s31 =	sshrl.u32 s10, $0x1;
	s5 =	sadd.s32 s30, s5;
	v7 =	vsel vm1, $0x4B23, v6;
	v6 =	vadd.s32 $0x1E0E, v1;
	v8 =	vadd.s32 $0x7838, v1;
	(pc) =	sbr.rel .LBB2_1-.Ltmp0, $4  }
0x2a: {  	s9 =	simm.s32 $0x3;
	s8 =	sand.u32 $0x380, s8;
	s6 =	sadd.s32 s6, s5;
	v9 =	vsel vm1, $0xA54D, v9;
	v10 =	vsel vm1, $0xF07, v10;
	v12 =	vsel vm1, $0x6931, v11  }
0x2b: {  	s7 =	sor.u32 s7, s8;
	s8 =	ssub.s32 s10, s31;
	s6 =	sadd.s32 $0x680, s6;
	v11 =	vadd.s32 $0x3C1C, v1;
	v13 =	vadd.s32 $0x9646, v1;
	v2 =	vsel vm0, $0x3C1C, v2  }
0x2c: {  	s10 =	simm.s32 $0x68;
	s7 =	sshrl.u32 s7, $0x3;
	s5 =	smax.u32 s8, $0x1;
	v4 =	vsel vm0, $0x9646, v4;
	v5 =	vsel vm0, $0x0, v5;
	v7 =	vsel vm0, $0x5A2A, v7  }
0x2d: {  	s8 =	simm.s32 $0x400;
	s4 =	sadd.s32 s4, s7;
	s7 =	simm.s32 $0x80;
	v9 =	vsel vm0, $0xB454, v9;
	v10 =	vsel vm0, $0x1E0E, v10;
	v12 =	vsel vm0, $0x7838, v12  }
.LBB2_5:
0x2e: {  	_ =	swait.ge [sflag:s18], $0x3400  }
0x2f: {  	[sflag:s18] =	ssyncset.done $0x0  }
0x30: {  	[sflag:s18] =	ssyncadd.s32 $0xFFFFCC00  }
0x31: {  	_ =	swait.ge [sflag:s18], $0x3400  }
0x32: {  	[sflag:s18] =	ssyncset.done $0x0  }
0x33: {  	s19 =	sadd.s32 $0x1, s19;
	[sflag:s18] =	ssyncadd.s32 $0xFFFFCC00  }
0x34: {  	p0 =	sne.s32 s19, s5;
	_ =	swait.ge [sflag:s18], $0x3400  }
.Ltmp1:
0x35: {  	[sflag:s18] =	ssyncset.done $0x0;
	(pc) =	sbr.rel @!p0 .LBB2_6-.Ltmp1, $4  }
0x36: {  	[sflag:s18] =	ssyncadd.s32 $0xFFFFCC00  }
0x37: {  	_ =	swait.ge [sflag:s18], $0x3400  }
0x38: {  	[sflag:s18] =	ssyncset.done $0x0  }
0x39: {  	[sflag:s18] =	ssyncadd.s32 $0xFFFFCC00  }
.LBB2_1:
0x3a: {  	[tilespmem:s3], [sflag:$0x3] =	stream.strided.gather [hbm4b:s4+s7], $0x3400, s8, s7, $0x38;
	[tilespmem:$0x1D400] =	vst v63  }
0x3b: {  	_ =	swait.ge [sflag:s9], $0x3400  }
0x3c: {  	[sflag:s9] =	ssyncset.done $0x0  }
0x3d: {  	[sflag:s9] =	ssyncadd.s32 $0xFFFFCC00  }
0x3e: {  	v14 =	vld [tilespmem:$0x0]  }
0x3f: {  	v15 =	vld [tilespmem:$0x10]  }
0x40: {  	v16 =	vld [tilespmem:$0x20]  }
0x41: {  	v17 =	vld [tilespmem:$0x30]  }
0x42: {  	v18 =	vld [tilespmem:$0x40]  }
0x43: {  	v19 =	vld [tilespmem:$0x50];
	v14 =	vadd.s32 v1, v14  }
0x44: {  	[tilespmem:$0x0] =	vst v14;
	v14 =	vadd.s32 v2, v15;
	v15 =	vld [tilespmem:$0x60]  }
0x45: {  	v50 =	vld [tilespmem:$0x70];
	[tilespmem:$0x10] =	vst v14;
	v14 =	vadd.s32 v3, v16  }
0x46: {  	v51 =	vld [tilespmem:$0x80];
	[tilespmem:$0x20] =	vst v14;
	v14 =	vadd.s32 v4, v17  }
0x47: {  	v52 =	vld [tilespmem:$0x90];
	[tilespmem:$0x30] =	vst v14;
	v14 =	vadd.s32 v5, v18  }
0x48: {  	v53 =	vld [tilespmem:$0xA0];
	[tilespmem:$0x40] =	vst v14;
	v14 =	vadd.s32 v6, v19  }
0x49: {  	[tilespmem:$0x50] =	vst v14;
	v14 =	vadd.s32 v7, v15;
	v15 =	vld [tilespmem:$0xB0]  }
0x4a: {  	v54 =	vld [tilespmem:$0xC0];
	[tilespmem:$0x60] =	vst v14;
	v14 =	vadd.s32 v8, v50  }
0x4b: {  	[tilespmem:$0x70] =	vst v14;
	v14 =	vadd.s32 v9, v51  }
0x4c: {  	[tilespmem:$0x80] =	vst v14;
	v14 =	vadd.s32 v10, v52  }
0x4d: {  	[tilespmem:$0x90] =	vst v14;
	v14 =	vadd.s32 v11, v53  }
0x4e: {  	[tilespmem:$0xA0] =	vst v14;
	v14 =	vadd.s32 v12, v15  }
0x4f: {  	[tilespmem:$0xB0] =	vst v14;
	v14 =	vadd.s32 v13, v54  }
0x50: {  	[tilespmem:$0xC0] =	vst v14  }
0x51: {  	[tilespmem:s11], [sflag:$0x1] =	stream.indirect.gather [hbm4b:s0+s10], $0x80, s3, s10, $0xb8;
	[tilespmem:$0x1D400] =	vst v63  }
0x52: {  	_ = 	snop  }
0x53: {  	[tilespmem:s12], [sflag:$0x1] =	stream.indirect.gather [hbm4b:s0+s10], $0x80, s10, s10, $0xb8;
	[tilespmem:$0x1D400] =	vst v63  }
0x54: {  	v14 =	vld [tilespmem:$0xD0]  }
0x55: {  	v15 =	vld [tilespmem:$0xE0]  }
0x56: {  	v55 =	vld [tilespmem:$0xF0]  }
0x57: {  	v56 =	vld [tilespmem:$0x100]  }
0x58: {  	v57 =	vld [tilespmem:$0x110]  }
0x59: {  	v58 =	vld [tilespmem:$0x120];
	v14 =	vadd.s32 v1, v14  }
0x5a: {  	[tilespmem:$0xD0] =	vst v14;
	v14 =	vadd.s32 v2, v15;
	v15 =	vld [tilespmem:$0x130]  }
0x5b: {  	v59 =	vld [tilespmem:$0x140];
	[tilespmem:$0xE0] =	vst v14;
	v14 =	vadd.s32 v3, v55  }
0x5c: {  	v60 =	vld [tilespmem:$0x150];
	[tilespmem:$0xF0] =	vst v14;
	v14 =	vadd.s32 v4, v56  }
0x5d: {  	v61 =	vld [tilespmem:$0x160];
	[tilespmem:$0x100] =	vst v14;
	v14 =	vadd.s32 v5, v57  }
0x5e: {  	v62 =	vld [tilespmem:$0x170];
	[tilespmem:$0x110] =	vst v14;
	v14 =	vadd.s32 v6, v58  }
0x5f: {  	[tilespmem:$0x120] =	vst v14;
	v14 =	vadd.s32 v7, v15;
	v15 =	vld [tilespmem:$0x180]  }
0x60: {  	v63 =	vld [tilespmem:$0x190];
	[tilespmem:$0x130] =	vst v14;
	v14 =	vadd.s32 v8, v59  }
0x61: {  	[tilespmem:$0x140] =	vst v14;
	v14 =	vadd.s32 v9, v60  }
0x62: {  	[tilespmem:$0x150] =	vst v14;
	v14 =	vadd.s32 v10, v61  }
0x63: {  	[tilespmem:$0x160] =	vst v14;
	v14 =	vadd.s32 v11, v62  }
0x64: {  	[tilespmem:$0x170] =	vst v14;
	v14 =	vadd.s32 v12, v15  }
.Ltmp2:
0x65: {  	[tilespmem:$0x180] =	vst v14;
	v14 =	vadd.s32 v13, v63;
	(pc) =	sbr.rel .LBB2_2-.Ltmp2, $4  }
0x66: {  	s20 =	simm.s32 $0x260;
	[tilespmem:$0x190] =	vst v14  }
0x67: {  	[tilespmem:s14], [sflag:$0x1] =	stream.indirect.gather [hbm4b:s0+s10], $0x80, s13, s10, $0xb8;
	[tilespmem:$0x1D400] =	vst v63  }
0x68: {  	s21 =	simm.s32 $0x1A0;
	s22 =	smov.u32 s6;
	s23 =	simm.s32 $0x0  }
0x69: {  	[tilespmem:s16], [sflag:$0x1] =	stream.indirect.gather [hbm4b:s0+s10], $0x80, s15, s10, $0xb8;
	[tilespmem:$0x1D400] =	vst v63  }
.LBB2_4:
0x6a: {  	_ =	swait.ge [sflag:s17], $0x3400  }
0x6b: {  	s24 =	sand.u32 $0x3, s23;
	[sflag:s17] =	ssyncset.done $0x0  }
0x6c: {  	s24 =	smul.u32 $0x1A000, s24;
	[sflag:s17] =	ssyncadd.s32 $0xFFFFCC00  }
0x6d: {  	_ =	swait.ge [sflag:s17], $0x3400  }
0x6e: {  	s24 =	sshrl.u32 s24, $0x2;
	[sflag:s17] =	ssyncset.done $0x0  }
0x6f: {  	s26 =	sadd.s32 $0xFFFFF980, s22;
	s25 =	sadd.s32 $0x3400, s24;
	[sflag:s17] =	ssyncadd.s32 $0xFFFFCC00  }
0x70: {  	[hbm4b:s26+s3] =	stream.linear.scatter [tilespmem:s25], [sflag:$0x2], $0x3400, $0x38;
	[tilespmem:$0x1D400] =	vst v63  }
0x71: {  	p0 =	slt.u32 s23, $0x2;
	s24 =	sadd.s32 $0x6800, s24  }
0x72: {  	[hbm4b:s22+s3] =	stream.linear.scatter [tilespmem:s24], [sflag:$0x2], $0x3400, $0x38;
	[tilespmem:$0x1D400] =	vst v63  }
0x73: {  	s24 =	simm.s32 @!p0 $0x2  }
0x74: {  	_ =	swait.ge @!p0 [sflag:s24], $0x3400  }
0x75: {  	[sflag:s24] =	ssyncset.done @!p0 $0x0  }
0x76: {  	[sflag:s24] =	ssyncadd.s32 @!p0 $0xFFFFCC00  }
0x77: {  	p1 =	sgt.u32 @!p0 s23, $0x3D;
	_ =	swait.ge @!p0 [sflag:s24], $0x3400  }
0x78: {  	p1 =	por p0, !p1;
	[sflag:s24] =	ssyncset.done @!p0 $0x0  }
0x79: {  	[sflag:s24] =	ssyncadd.s32 @!p0 $0xFFFFCC00;
	s24 =	sadd.s32 @p1 $0x2, s23  }
0x7a: {  	s24 =	sand.u32 @p1 $0x3, s24  }
0x7b: {  	s20 =	sadd.s32 $0xD0, s20;
	s24 =	smul.u32 @p1 $0x1A000, s24  }
0x7c: {  	p0 =	sne.s32 s20, $0x3660  }
.Ltmp3:
0x7d: {  	s24 =	sshrl.u32 @p1 s24, $0x2;
	(pc) =	sbr.rel @!p0 .LBB2_5-.Ltmp3, $4  }
0x7e: {  	s22 =	sadd.s32 $0xD00, s22;
	s23 =	sadd.s32 $0x1, s23;
	s25 =	sadd.s32 @p1 $0x3400, s24  }
0x7f: {  	[tilespmem:s25], [sflag:$0x1] =	stream.indirect.gather @p1 [hbm4b:s0+s10], $0x80, s21, s10, $0xb8;
	[tilespmem:$0x1D400] =	vst v63  }
0x80: {  	s24 =	sadd.s32 @p1 $0x6800, s24;
	s25 =	sadd.s32 @p1 $0x68, s21;
	s21 =	sadd.s32 $0xD0, s21  }
0x81: {  	[tilespmem:s24], [sflag:$0x1] =	stream.indirect.gather @p1 [hbm4b:s0+s10], $0x80, s25, s10, $0xb8;
	[tilespmem:$0x1D400] =	vst v63  }
.LBB2_2:
0x82: {  	p0 =	sgt.u32 s23, $0x3D  }
.Ltmp4:
0x83: {  	_ = 	snop;
	(pc) =	sbr.rel @p0 .LBB2_4-.Ltmp4, $1  }
0x84: {  	_ =	sdelay $0x3  }
0x85: {  	s24 =	sadd.s32 $0xFFFFFF40, s20  }
0x86: {  	v14 =	vor.u32 s24, v0  }
0x87: {  	v15 =	vmulhi.u32 $0x4EC4EC4F, v14;
	_ =	sdelay $0x1  }
0x88: {  	v15 =	vshrl.u32 v15, $0x3  }
0x89: {  	v16 =	vld [tilespmem:s21+$0x0];
	v15 =	vmul.u32 $0x1A, v15;
	_ =	sdelay $0x1  }
0x8a: {  	s25 =	sadd.s32 $0xFFFFFF50, s20;
	v14 =	vsub.s32 v14, v15  }
0x8b: {  	v15 =	vor.u32 s25, v0;
	v14 =	vmul.u32 $0xF07, v14  }
0x8c: {  	v17 =	vmulhi.u32 $0x4EC4EC4F, v15  }
0x8d: {  	v14 =	vadd.s32 v14, v16  }
0x8e: {  	[tilespmem:s21+$0x0] =	vst v14;
	v14 =	vshrl.u32 v17, $0x3  }
0x8f: {  	v41 =	vld [tilespmem:s21+$0x10];
	v14 =	vmul.u32 $0x1A, v14;
	_ =	sdelay $0x1  }
0x90: {  	s26 =	sadd.s32 $0xFFFFFF60, s20;
	v14 =	vsub.s32 v15, v14  }
0x91: {  	v15 =	vor.u32 s26, v0;
	v14 =	vmul.u32 $0xF07, v14  }
0x92: {  	v42 =	vmulhi.u32 $0x4EC4EC4F, v15  }
0x93: {  	v14 =	vadd.s32 v14, v41  }
0x94: {  	[tilespmem:s21+$0x10] =	vst v14;
	v14 =	vshrl.u32 v42, $0x3  }
0x95: {  	v43 =	vld [tilespmem:s21+$0x20];
	v14 =	vmul.u32 $0x1A, v14;
	_ =	sdelay $0x1  }
0x96: {  	s28 =	sadd.s32 $0xFFFFFF70, s20;
	v14 =	vsub.s32 v15, v14  }
0x97: {  	v15 =	vor.u32 s28, v0;
	v14 =	vmul.u32 $0xF07, v14  }
0x98: {  	v44 =	vmulhi.u32 $0x4EC4EC4F, v15  }
0x99: {  	v14 =	vadd.s32 v14, v43  }
0x9a: {  	[tilespmem:s21+$0x20] =	vst v14;
	v14 =	vshrl.u32 v44, $0x3  }
0x9b: {  	v45 =	vld [tilespmem:s21+$0x30];
	v14 =	vmul.u32 $0x1A, v14;
	_ =	sdelay $0x1  }
0x9c: {  	s29 =	sadd.s32 $0xFFFFFF80, s20;
	v14 =	vsub.s32 v15, v14  }
0x9d: {  	v15 =	vor.u32 s29, v0;
	v14 =	vmul.u32 $0xF07, v14  }
0x9e: {  	v46 =	vmulhi.u32 $0x4EC4EC4F, v15  }
0x9f: {  	v14 =	vadd.s32 v14, v45  }
0xa0: {  	[tilespmem:s21+$0x30] =	vst v14;
	v14 =	vshrl.u32 v46, $0x3  }
0xa1: {  	v47 =	vld [tilespmem:s21+$0x40];
	v14 =	vmul.u32 $0x1A, v14;
	_ =	sdelay $0x1  }
0xa2: {  	s30 =	sadd.s32 $0xFFFFFF90, s20;
	v14 =	vsub.s32 v15, v14  }
0xa3: {  	v15 =	vor.u32 s30, v0;
	v14 =	vmul.u32 $0xF07, v14  }
0xa4: {  	v48 =	vmulhi.u32 $0x4EC4EC4F, v15  }
0xa5: {  	v14 =	vadd.s32 v14, v47  }
0xa6: {  	[tilespmem:s21+$0x40] =	vst v14;
	v14 =	vshrl.u32 v48, $0x3  }
0xa7: {  	v49 =	vld [tilespmem:s21+$0x50];
	v14 =	vmul.u32 $0x1A, v14;
	_ =	sdelay $0x1  }
0xa8: {  	s31 =	sadd.s32 $0xFFFFFFA0, s20;
	v14 =	vsub.s32 v15, v14  }
0xa9: {  	v15 =	vor.u32 s31, v0;
	v14 =	vmul.u32 $0xF07, v14  }
0xaa: {  	v50 =	vmulhi.u32 $0x4EC4EC4F, v15  }
0xab: {  	v14 =	vadd.s32 v14, v49  }
0xac: {  	[tilespmem:s21+$0x50] =	vst v14;
	v14 =	vshrl.u32 v50, $0x3  }
0xad: {  	v51 =	vld [tilespmem:s21+$0x60];
	v14 =	vmul.u32 $0x1A, v14;
	_ =	sdelay $0x1  }
0xae: {  	s26 =	sadd.s32 $0xFFFFFFB0, s20;
	v14 =	vsub.s32 v15, v14  }
0xaf: {  	v15 =	vor.u32 s26, v0;
	v14 =	vmul.u32 $0xF07, v14  }
0xb0: {  	v52 =	vmulhi.u32 $0x4EC4EC4F, v15  }
0xb1: {  	v14 =	vadd.s32 v14, v51  }
0xb2: {  	[tilespmem:s21+$0x60] =	vst v14;
	v14 =	vshrl.u32 v52, $0x3  }
0xb3: {  	v53 =	vld [tilespmem:s21+$0x70];
	v14 =	vmul.u32 $0x1A, v14;
	_ =	sdelay $0x1  }
0xb4: {  	s28 =	sadd.s32 $0xFFFFFFC0, s20;
	v14 =	vsub.s32 v15, v14  }
0xb5: {  	v15 =	vor.u32 s28, v0;
	v14 =	vmul.u32 $0xF07, v14  }
0xb6: {  	v54 =	vmulhi.u32 $0x4EC4EC4F, v15  }
0xb7: {  	s24 =	sand.u32 $0x70, s24;
	s25 =	sand.u32 $0xFF80, s28;
	v14 =	vadd.s32 v14, v53  }
0xb8: {  	s24 =	sor.u32 s24, s25;
	[tilespmem:s21+$0x70] =	vst v14;
	v14 =	vshrl.u32 v54, $0x3  }
0xb9: {  	v14 =	vmul.u32 $0x1A, v14;
	v55 =	vld [tilespmem:s24+$0x0];
	_ =	sdelay $0x1  }
0xba: {  	s29 =	sadd.s32 $0xFFFFFFD0, s20;
	v14 =	vsub.s32 v15, v14  }
0xbb: {  	v15 =	vor.u32 s29, v0;
	v14 =	vmul.u32 $0xF07, v14  }
0xbc: {  	v56 =	vmulhi.u32 $0x4EC4EC4F, v15  }
0xbd: {  	v14 =	vadd.s32 v14, v55  }
0xbe: {  	[tilespmem:s24+$0x0] =	vst v14;
	v14 =	vshrl.u32 v56, $0x3  }
0xbf: {  	v14 =	vmul.u32 $0x1A, v14;
	v57 =	vld [tilespmem:s21+$0x90];
	_ =	sdelay $0x1  }
0xc0: {  	s30 =	sadd.s32 $0xFFFFFFE0, s20;
	v14 =	vsub.s32 v15, v14  }
0xc1: {  	v15 =	vor.u32 s30, v0;
	v14 =	vmul.u32 $0xF07, v14  }
0xc2: {  	v58 =	vmulhi.u32 $0x4EC4EC4F, v15  }
0xc3: {  	v14 =	vadd.s32 v14, v57  }
0xc4: {  	[tilespmem:s21+$0x90] =	vst v14;
	v14 =	vshrl.u32 v58, $0x3  }
0xc5: {  	v59 =	vld [tilespmem:s21+$0xA0];
	v14 =	vmul.u32 $0x1A, v14;
	_ =	sdelay $0x1  }
0xc6: {  	s31 =	sadd.s32 $0xFFFFFFF0, s20;
	v14 =	vsub.s32 v15, v14  }
0xc7: {  	v15 =	vor.u32 s31, v0;
	v14 =	vmul.u32 $0xF07, v14  }
0xc8: {  	v60 =	vmulhi.u32 $0x4EC4EC4F, v15  }
0xc9: {  	v14 =	vadd.s32 v14, v59  }
0xca: {  	[tilespmem:s21+$0xA0] =	vst v14;
	v14 =	vshrl.u32 v60, $0x3  }
0xcb: {  	v61 =	vld [tilespmem:s21+$0xB0];
	v14 =	vmul.u32 $0x1A, v14;
	_ =	sdelay $0x1  }
0xcc: {  	v14 =	vsub.s32 v15, v14  }
0xcd: {  	v15 =	vor.u32 s20, v0;
	v14 =	vmul.u32 $0xF07, v14  }
0xce: {  	v62 =	vmulhi.u32 $0x4EC4EC4F, v15  }
0xcf: {  	v14 =	vadd.s32 v14, v61  }
0xd0: {  	[tilespmem:s21+$0xB0] =	vst v14;
	v14 =	vshrl.u32 v62, $0x3  }
0xd1: {  	v63 =	vld [tilespmem:s21+$0xC0];
	v14 =	vmul.u32 $0x1A, v14;
	_ =	sdelay $0x1  }
.Ltmp5:
0xd2: {  	v14 =	vsub.s32 v15, v14;
	(pc) =	sbr.rel .LBB2_4-.Ltmp5, $3  }
0xd3: {  	v14 =	vmul.u32 $0xF07, v14;
	_ =	sdelay $0x1  }
0xd4: {  	v14 =	vadd.s32 v14, v63  }
0xd5: {  	[tilespmem:s21+$0xC0] =	vst v14  }
.LBB2_6:
0xd6: {  	_ =	sfence.sel $0x180000  }
0xd7: {  	[bflag:$0x0] =	sbarrier.arrive $0xFFFF  }
0xd8: {  	p0 =	sne.s32 s2, $0x0;
	_ =	strace $0x90000047  }
0xd9: {  	s0 =	sadd.s32 @!p0 $0x100000, s1;
	[bflag:$0x2] =	sbarrier.arrive $0xFFFF  }
0xda: {  	[sflag:s0] =	ssyncadd.tile.s32 @!p0 $0x1;
	_ =	shalt  }
.Lfunc_end2:
_tile_overlayer_lowered:
.L_overlay_start_2:
0xdb: {  	(tag) =	ssettag $0x2  }
0xdc: {  	s0 =	rddreg [dreg:$0x0];
	s2 =	stileid.u32  }
0xdd: {  	s1 =	rddreg [dreg:$0x1];
	p0 =	sne.s32 s2, $0x0  }
0xde: {  	s3 =	rddreg [dreg:$0x2];
	[bflag:$0x3] =	sbarrier.arrive $0xFFFF;
	s2 =	simm.s32 @!p0 $0x1C03  }
0xdf: {  	[timem:s3], [sflag:s2] =	dma.local @!p0 [hbm:s0], s1  }
0xe0: {  	s0 =	simm.s32 @!p0 $0x3  }
0xe1: {  	_ =	swait.ge @!p0 [sflag:s0], s1  }
0xe2: {  	s1 =	ssub.s32 @!p0 $0x0, s1;
	[sflag:s0] =	ssyncset.done @!p0 $0x0  }
0xe3: {  	[sflag:s0] =	ssyncadd.s32 @!p0 s1  }
0xe4: {  	[bflag:$0x3] =	sbarrier.arrive $0xFFFF  }
0xe5: {  	_ =	shalt  }

</sc_bundles>
